<compile_context>
chip_gen: v7x
topology: tpu7x:2x2x1
jax: 0.10.2.dev20260603
libtpu: 0.0.44.dev20260713+nightly
codegen_flags: <defaults>
</compile_context>

<pallas_src>
import functools

import jax
import jax.numpy as jnp
from jax import lax
from jax.experimental import pallas as pl
from jax.experimental.pallas import tpu as pltpu
from jax.experimental.pallas import tpu_sc as plsc

N_E = 11964
N_C = 188
N_DL = 100
D = 128
NV = N_E + 1
TILE = 1024
NT = (NV + TILE - 1) // TILE
NVP = NT * TILE
NCQ = 192
NCA = N_C + 1
NDQ = 104
NEG = -1e23


def _onehot3(he0, he1, he2):
    iota = lax.broadcasted_iota(jnp.int32, (TILE, NCQ), 1)
    return ((he0 == iota).astype(jnp.float32)
            + (he1 == iota).astype(jnp.float32)
            + (he2 == iota).astype(jnp.float32))


def _seg_accum(osum, xw, acc_ref, first):
    aug = jnp.concatenate([xw, jnp.ones((TILE, 1), jnp.float32)], axis=1)
    part = lax.dot_general(osum, aug, (((0,), (0,)), ((), ())),
                           preferred_element_type=jnp.float32)

    @pl.when(first)
    def _():
        acc_ref[...] = jnp.zeros_like(acc_ref)

    acc_ref[...] += part


def _ef_norm(ef_aug):
    de = jnp.clip(ef_aug[:, D:D + 1], 1.0, None)
    efn = ef_aug[:, :D] / de
    rmask = lax.broadcasted_iota(jnp.int32, (NCQ, D), 0) < N_C
    return jnp.where(rmask, efn, 0.0)


def _gather_back(osum, efn, he0, he1, he2):
    dv = ((he0 < N_C).astype(jnp.float32) + (he1 < N_C).astype(jnp.float32)
          + (he2 < N_C).astype(jnp.float32))
    gb = jnp.dot(osum, efn, preferred_element_type=jnp.float32)
    return gb / jnp.clip(dv, 1.0, None)


def _graph_body(he0, he1, he2, x, ec, ecd, w1t, b1, w2t, b2, cemT,
                econv_ref, w_ref, ef1_ref, ef2_ref, efn_ref):
    p = pl.program_id(0)
    i = pl.program_id(1)
    osum = _onehot3(he0[...], he1[...], he2[...])

    @pl.when(p == 0)
    def _phase0():
        xw = jnp.dot(x[...], w1t[...], preferred_element_type=jnp.float32) + b1[...]
        row = lax.broadcasted_iota(jnp.int32, (TILE, 1), 0) + i * TILE
        xw = jnp.where(row < NV, xw, 0.0)
        _seg_accum(osum, xw, ef1_ref, i == 0)

    @pl.when(p == 1)
    def _phase1():
        @pl.when(i == 0)
        def _():
            efn_ref[...] = _ef_norm(ef1_ref[...])

        xn1 = jnp.maximum(
            _gather_back(osum, efn_ref[...], he0[...], he1[...], he2[...]), 0.0)
        xw2 = jnp.dot(xn1, w2t[...], preferred_element_type=jnp.float32) + b2[...]
        _seg_accum(osum, xw2, ef2_ref, i == 0)

    @pl.when(p == 2)
    def _phase2():
        @pl.when(i == 0)
        def _():
            efn_ref[...] = _ef_norm(ef2_ref[...])

        xn2 = _gather_back(osum, efn_ref[...], he0[...], he1[...], he2[...])
        e_conv = xn2 + x[...]
        econv_ref[...] = e_conv
        s = jnp.dot(e_conv, cemT[...],
                    preferred_element_type=jnp.float32) * (1.0 / 64.0)
        masked = jnp.where(ec[...] > 0, s, NEG)
        m = jnp.max(masked, axis=1, keepdims=True)
        pe = jnp.exp(masked - m)
        w = pe / jnp.sum(pe, axis=1, keepdims=True)
        za = jnp.zeros((TILE, 2 * D - NCA), jnp.float32)
        zb = jnp.zeros((TILE, PKW - 2 * D - NCA), jnp.float32)
        w_ref[...] = jnp.concatenate(
            [w, za, ecd[...].astype(jnp.float32), zb], axis=1)


PKW = 4 * D


def _run_graph(he0, he1, he2, x, ec, ecd, w1t, b1, w2t, b2, cemT):
    hspec = pl.BlockSpec((TILE, 1), lambda p, i: (i, 0))
    xspec = pl.BlockSpec((TILE, D), lambda p, i: (jnp.where(p == 1, 0, i), 0))
    mspec = pl.BlockSpec((TILE, NCA),
                         lambda p, i: (jnp.where(p == 2, i, 0), 0))
    full = lambda s: pl.BlockSpec(s, lambda p, i: tuple(0 for _ in s))
    out_x = pl.BlockSpec((TILE, D), lambda p, i: (i, 0))
    out_w = pl.BlockSpec((TILE, PKW), lambda p, i: (i, 0))
    return pl.pallas_call(
        _graph_body,
        grid=(3, NT),
        in_specs=[hspec, hspec, hspec, xspec, mspec, mspec, full((D, D)),
                  full((1, D)), full((D, D)), full((1, D)), full((D, NCA))],
        out_specs=[out_x, out_w],
        out_shape=[jax.ShapeDtypeStruct((NVP, D), jnp.float32),
                   jax.ShapeDtypeStruct((NVP, PKW), jnp.float32)],
        scratch_shapes=[pltpu.VMEM((NCQ, D + 1), jnp.float32),
                        pltpu.VMEM((NCQ, D + 1), jnp.float32),
                        pltpu.VMEM((NCQ, D), jnp.float32)],
    )(he0, he1, he2, x, ec, ecd, w1t, b1, w2t, b2, cemT)


def _sc_gather2(t0, t1, idx):
    info = plsc.get_sparse_core_info()
    nw = info.num_cores * info.num_subcores
    n = idx.shape[0]
    bpw = -(-n // (nw * 8)) * 8
    npad = nw * bpw
    if npad != n:
        idx = jnp.pad(idx, (0, npad - n))
    ch = 8
    for c in range(128, 0, -8):
        if bpw % c == 0:
            ch = c
            break
    nchunk = bpw // ch
    mesh = plsc.VectorSubcoreMesh(core_axis_name="c", subcore_axis_name="s")

    @functools.partial(
        pl.kernel,
        mesh=mesh,
        out_type=[jax.ShapeDtypeStruct((npad, D), jnp.float32),
                  jax.ShapeDtypeStruct((npad, PKW), jnp.float32)],
        scratch_types=[
            pltpu.VMEM((bpw,), jnp.int32),
            pltpu.VMEM((ch, D), jnp.float32),
            pltpu.VMEM((ch, PKW), jnp.float32),
            pltpu.SemaphoreType.DMA,
        ],
    )
    def gk(t0h, t1h, idxh, o0h, o1h, idx_v, r0, r1, sem):
        wid = lax.axis_index("s") * info.num_cores + lax.axis_index("c")
        base = wid * bpw
        pltpu.sync_copy(idxh.at[pl.ds(base, bpw)], idx_v)
        for th, oh, rv in ((t0h, o0h, r0), (t1h, o1h, r1)):
            for c in range(nchunk):
                pltpu.async_copy(th.at[idx_v.at[pl.ds(c * ch, ch)]], rv,
                                 sem).wait()
                pltpu.sync_copy(rv, oh.at[pl.ds(base + c * ch, ch)])

    o0, o1 = gk(t0, t1, idx)
    return o0[:n], o1[:n]


T3 = 640


def _oh(idx, n):
    iota = lax.broadcasted_iota(jnp.int32, (T3, n), 1)
    return (idx == iota).astype(jnp.float32)


def _pre_body(ed_i, ep_i, a_i, it_i, ha_i, ca_i, as_i, e_d, pk,
              ed_t, ep_t, a_t, it_t, ha_t, ca_t, as_t, cem, cdt,
              wi_e, wi_ed, wi_ep, wi_c, wi_cd, bi,
              wf_it, bf, wpp_i, wpp_ha, wpp_ca, bpp,
              wl_i, wl_a, wl_ha, wl_ca, wl_as, bl,
              wg_i, wg_a, wg_ha, wg_ca, wg_as, bg,
              wps_ha, wps_ca, wps_as, wps_it, bps,
              pcf_ref, pcpp_ref, pclg_ref, sp_ref):
    f32 = jnp.float32
    dot = lambda a, b: jnp.dot(a, b, preferred_element_type=f32)
    oh_ed = _oh(ed_i[...], N_DL + 1)
    oh_ep = _oh(ep_i[...], 101)
    oh_a = _oh(a_i[...], 2)
    oh_it = _oh(it_i[...], 8)
    oh_ha = _oh(ha_i[...], 11)
    oh_ca = _oh(ca_i[...], 11)
    oh_as = _oh(as_i[...], 8)
    pkv = pk[...]
    w6 = pkv[:, :NCA]
    ecdv = pkv[:, 2 * D:2 * D + NCA].reshape(T3, 1, NCA)
    w3 = w6.reshape(T3, 1, NCA)
    pieces = []
    for b in range(NDQ // 8):
        dval = (lax.broadcasted_iota(jnp.int32, (1, 8, 1), 1)
                + (8 * b)).astype(jnp.float32)
        hit = (ecdv == dval).astype(jnp.float32)
        pieces.append(jnp.sum(hit * w3, axis=2))
    bm = jnp.concatenate(pieces, axis=1)
    i_emb = (dot(e_d[...], wi_e[...]) + dot(oh_ed, dot(ed_t[...], wi_ed[...]))
             + dot(oh_ep, dot(ep_t[...], wi_ep[...]))
             + dot(w6, dot(cem[...], wi_c[...]))
             + dot(bm, dot(cdt[...], wi_cd[...])) + bi[...])
    pcf_ref[...] = dot(oh_it, dot(it_t[...], wf_it[...])) + bf[...]
    pcpp_ref[...] = (dot(i_emb, wpp_i[...]) + dot(oh_ha, dot(ha_t[...], wpp_ha[...]))
                     + dot(oh_ca, dot(ca_t[...], wpp_ca[...])) + bpp[...])
    pc_l = (dot(i_emb, wl_i[...]) + dot(oh_a, dot(a_t[...], wl_a[...]))
            + dot(oh_ha, dot(ha_t[...], wl_ha[...]))
            + dot(oh_ca, dot(ca_t[...], wl_ca[...]))
            + dot(oh_as, dot(as_t[...], wl_as[...])) + bl[...])
    pc_g = (dot(i_emb, wg_i[...]) + dot(oh_a, dot(a_t[...], wg_a[...]))
            + dot(oh_ha, dot(ha_t[...], wg_ha[...]))
            + dot(oh_ca, dot(ca_t[...], wg_ca[...]))
            + dot(oh_as, dot(as_t[...], wg_as[...])) + bg[...])
    pclg_ref[...] = jnp.concatenate([pc_l, pc_g], axis=1)
    s_lin = (dot(oh_ha, dot(ha_t[...], wps_ha[...]))
             + dot(oh_ca, dot(ca_t[...], wps_ca[...]))
             + dot(oh_as, dot(as_t[...], wps_as[...]))
             + dot(oh_it, dot(it_t[...], wps_it[...])) + bps[...])
    sp_ref[...] = jax.nn.sigmoid(s_lin)


def _scan_body(pcf, pcpp, pclg, itm, h0, mf, mpp, mlg, wp, bp, pm_ref, hf_scr):
    L = pcf.shape[0]
    B = pcf.shape[1]

    def step(t, h):
        fg = jax.nn.sigmoid(
            jnp.dot(h, mf[...], preferred_element_type=jnp.float32) + pcf[t])
        fg = jnp.where(itm[t] > 1, fg, 1.0)
        h_f = fg * h
        hf_scr[t] = h_f
        z = jnp.dot(h_f, mlg[...], preferred_element_type=jnp.float32) + pclg[t]
        lg = jnp.tanh(z[:, :D])
        g = jax.nn.sigmoid(z[:, D:])
        return g * lg + (1.0 - g) * h_f

    lax.fori_loop(0, L, step, h0[...])
    hf = hf_scr[...].reshape(L * B, D)
    pre = jnp.maximum(
        jnp.dot(hf, mpp[...], preferred_element_type=jnp.float32) + pcpp[...], 0.0)
    pm_ref[...] = jax.nn.sigmoid(
        jnp.sum(pre * wp[...], axis=1, keepdims=True) + bp[...])


def kernel(e_data, ed_data, ep_data, a_data, as_data, ha_data, ca_data, it_data,
           deliver_h, v_idx, he_idx, ec_matrix, ecd_matrix,
           e_embed, c_embed, ed_embed_t, cd_embed_t, a_embed_t, it_embed_t,
           ep_embed_t, ha_embed_t, ca_embed_t, as_embed_t,
           theta1_w, theta1_b, theta2_w, theta2_b,
           Wi, bi, Wps, bps, Wf, bf, Wpp, bpp, Wp, bp, Wl, bl, Wg, bg):
    B, L = e_data.shape
    f32 = jnp.float32

    vm1 = jnp.concatenate([jnp.full((1,), -1, jnp.int32), v_idx[:-1]])
    vm2 = jnp.concatenate([jnp.full((2,), -1, jnp.int32), v_idx[:-2]])
    occ = (vm1 == v_idx).astype(jnp.int32) + (vm2 == v_idx).astype(jnp.int32)
    flat = jnp.full((NVP * 3,), N_C, jnp.int32).at[v_idx * 3 + occ].set(
        he_idx, unique_indices=True, indices_are_sorted=True)
    he3 = flat.reshape(NVP, 3)
    he0 = he3[:, 0:1]
    he1 = he3[:, 1:2]
    he2 = he3[:, 2:3]

    e_conv, pk_full = _run_graph(
        he0, he1, he2, e_embed, ec_matrix, ecd_matrix, theta1_w.T,
        theta1_b.reshape(1, D), theta2_w.T, theta2_b.reshape(1, D), c_embed.T)

    idx = e_data.T.reshape(-1)
    e_d, pk6 = _sc_gather2(e_conv, pk_full, idx)

    cdt = jnp.pad(cd_embed_t, ((0, NDQ - (N_DL + 1)), (0, 0)))
    tm = lambda a: a.T.reshape(L * B, 1)
    colT = lambda W, j: W[:, j * D:(j + 1) * D].T
    ins = (tm(ed_data), tm(ep_data), tm(a_data), tm(it_data), tm(ha_data),
           tm(ca_data), tm(as_data), e_d, pk6,
           ed_embed_t, ep_embed_t, a_embed_t, it_embed_t, ha_embed_t,
           ca_embed_t, as_embed_t, c_embed, cdt,
           colT(Wi, 0), colT(Wi, 1), colT(Wi, 2), colT(Wi, 3), colT(Wi, 4),
           bi.reshape(1, D),
           colT(Wf, 1), bf.reshape(1, D),
           colT(Wpp, 0), colT(Wpp, 2), colT(Wpp, 3), bpp.reshape(1, D),
           colT(Wl, 0), colT(Wl, 2), colT(Wl, 3), colT(Wl, 4), colT(Wl, 5),
           bl.reshape(1, D),
           colT(Wg, 0), colT(Wg, 2), colT(Wg, 3), colT(Wg, 4), colT(Wg, 5),
           bg.reshape(1, D),
           colT(Wps, 0), colT(Wps, 1), colT(Wps, 2), colT(Wps, 3),
           bps.reshape(1, 1))
    n_seq = L * B
    nt3 = n_seq // T3
    ispec = pl.BlockSpec((T3, 1), lambda i: (i, 0))
    dspec = pl.BlockSpec((T3, D), lambda i: (i, 0))
    wspec = pl.BlockSpec((T3, PKW), lambda i: (i, 0))
    full = lambda s: pl.BlockSpec(s, lambda i: tuple(0 for _ in s))
    in_specs = ([ispec] * 7 + [dspec, wspec]
                + [full(t.shape) for t in ins[9:]])
    pcf, pcpp, pclg, sp = pl.pallas_call(
        _pre_body,
        grid=(nt3,),
        in_specs=in_specs,
        out_specs=[dspec, dspec, pl.BlockSpec((T3, 2 * D), lambda i: (i, 0)),
                   ispec],
        out_shape=[jax.ShapeDtypeStruct((n_seq, D), f32),
                   jax.ShapeDtypeStruct((n_seq, D), f32),
                   jax.ShapeDtypeStruct((n_seq, 2 * D), f32),
                   jax.ShapeDtypeStruct((n_seq, 1), f32)],
    )(*ins)

    mlg = jnp.concatenate([Wl[:, D:2 * D].T, Wg[:, D:2 * D].T], axis=1)
    pm = pl.pallas_call(
        _scan_body,
        grid=(),
        in_specs=[
            pl.BlockSpec((L, B, D), lambda: (0, 0, 0)),
            pl.BlockSpec((n_seq, D), lambda: (0, 0)),
            pl.BlockSpec((L, B, 2 * D), lambda: (0, 0, 0)),
            pl.BlockSpec((L, B, 1), lambda: (0, 0, 0)),
            pl.BlockSpec((B, D), lambda: (0, 0)),
            pl.BlockSpec((D, D), lambda: (0, 0)),
            pl.BlockSpec((D, D), lambda: (0, 0)),
            pl.BlockSpec((D, 2 * D), lambda: (0, 0)),
            pl.BlockSpec((1, D), lambda: (0, 0)),
            pl.BlockSpec((1, 1), lambda: (0, 0)),
        ],
        out_specs=pl.BlockSpec((n_seq, 1), lambda: (0, 0)),
        out_shape=jax.ShapeDtypeStruct((n_seq, 1), f32),
        scratch_shapes=[pltpu.VMEM((L, B, D), f32)],
    )(pcf.reshape(L, B, D), pcpp, pclg.reshape(L, B, 2 * D),
      it_data.T.reshape(L, B, 1), deliver_h,
      Wf[:, :D].T, Wpp[:, D:2 * D].T, mlg, Wp, bp.reshape(1, 1))

    pm_out = pm.reshape(L, B).T
    ps_out = sp.reshape(L, B).T
    return pm_out, ps_out

# --- scband reference (transcript-rebuilt; emitter-appended) ---
"""Pipeline reference for scband-hy-ktnet-37391985279185 (READ-ONLY COPY).

The authoritative reference and input builder live on the scoring server;
editing this copy changes nothing except your own understanding.
"""

import jax, jax.numpy as jnp
import numpy as np

N_E = 11964; N_C = 188; N_DL = 100; N_IT = 7; N_EP = 100; N_HA = 10; N_CA = 10; N_AS = 7
D = 128
NV = N_E + 1


def setup_inputs():
    rng = np.random.RandomState(0)
    B, L = 32, 200
    inp = {}
    inp['e_data'] = jnp.asarray(rng.randint(0, NV, (B, L)), dtype=jnp.int32)
    inp['ed_data'] = jnp.asarray(rng.randint(0, N_DL + 1, (B, L)), dtype=jnp.int32)
    inp['ep_data'] = jnp.asarray(rng.randint(0, N_EP + 1, (B, L)), dtype=jnp.int32)
    inp['a_data'] = jnp.asarray(rng.randint(0, 2, (B, L)), dtype=jnp.int32)
    inp['as_data'] = jnp.asarray(rng.randint(0, N_AS + 1, (B, L)), dtype=jnp.int32)
    inp['ha_data'] = jnp.asarray(rng.randint(0, N_HA + 1, (B, L)), dtype=jnp.int32)
    inp['ca_data'] = jnp.asarray(rng.randint(0, N_CA + 1, (B, L)), dtype=jnp.int32)
    inp['it_data'] = jnp.asarray(rng.randint(0, N_IT + 1, (B, L)), dtype=jnp.int32)
    inp['deliver_h'] = jnp.asarray(rng.randn(B, D), dtype=jnp.float32)
    deg = rng.randint(1, 4, size=NV)
    v_idx = np.repeat(np.arange(NV), deg)
    he_idx = rng.randint(0, N_C, size=v_idx.shape[0])
    inp['v_idx'] = jnp.asarray(v_idx, dtype=jnp.int32)
    inp['he_idx'] = jnp.asarray(he_idx, dtype=jnp.int32)
    mask = rng.rand(NV, N_C + 1) < 0.02
    mask[:, 0] = False
    mask[np.arange(NV), rng.randint(1, N_C + 1, NV)] = True
    cols = np.broadcast_to(np.arange(N_C + 1)[None, :], (NV, N_C + 1))
    inp['ec_matrix'] = jnp.asarray(np.where(mask, cols, 0), dtype=jnp.int32)
    inp['ecd_matrix'] = jnp.asarray(np.where(mask, rng.randint(1, N_DL + 1, (NV, N_C + 1)), 0), dtype=jnp.int32)
    def xav(shape):
        lim = np.sqrt(6.0 / (shape[0] + shape[1]))
        return jnp.asarray(rng.uniform(-lim, lim, shape), dtype=jnp.float32)
    inp['e_embed'] = xav((NV, D))
    inp['c_embed'] = xav((N_C + 1, D))
    inp['ed_embed_t'] = xav((N_DL + 1, D))
    inp['cd_embed_t'] = xav((N_DL + 1, D))
    inp['a_embed_t'] = xav((2, D))
    inp['it_embed_t'] = xav((N_IT + 1, D))
    inp['ep_embed_t'] = xav((N_EP + 1, D))
    inp['ha_embed_t'] = xav((N_HA + 1, D))
    inp['ca_embed_t'] = xav((N_CA + 1, D))
    inp['as_embed_t'] = xav((N_AS + 1, D))
    inp['theta1_w'] = xav((D, D)); inp['theta1_b'] = jnp.zeros((D,), jnp.float32)
    inp['theta2_w'] = xav((D, D)); inp['theta2_b'] = jnp.zeros((D,), jnp.float32)
    inp['Wi'] = xav((D, 5 * D)); inp['bi'] = jnp.zeros((D,), jnp.float32)
    inp['Wps'] = xav((1, 4 * D)); inp['bps'] = jnp.zeros((1,), jnp.float32)
    inp['Wf'] = xav((D, 2 * D)); inp['bf'] = jnp.zeros((D,), jnp.float32)
    inp['Wpp'] = xav((D, 4 * D)); inp['bpp'] = jnp.zeros((D,), jnp.float32)
    inp['Wp'] = xav((1, D)); inp['bp'] = jnp.zeros((1,), jnp.float32)
    inp['Wl'] = xav((D, 6 * D)); inp['bl'] = jnp.zeros((D,), jnp.float32)
    inp['Wg'] = xav((D, 6 * D)); inp['bg'] = jnp.zeros((D,), jnp.float32)
    return inp


def _hgnnp(X, W, b, v_idx, he_idx, act):
    X = X @ W.T + b
    de = jnp.zeros((N_C,), jnp.float32).at[he_idx].add(1.0)
    ef = jnp.zeros((N_C, X.shape[1]), X.dtype).at[he_idx].add(X[v_idx]) / jnp.clip(de, 1.0)[:, None]
    dv = jnp.zeros((NV,), jnp.float32).at[v_idx].add(1.0)
    Xn = jnp.zeros((NV, X.shape[1]), X.dtype).at[v_idx].add(ef[he_idx]) / jnp.clip(dv, 1.0)[:, None]
    if act:
        Xn = jax.nn.relu(Xn)
    return Xn


def _forward(fl, il):
    (deliver_h, e_embed, c_embed, ed_t, cd_t, a_t, it_t, ep_t, ha_t, ca_t, as_t,
     t1w, t1b, t2w, t2b, Wi, bi, Wps, bps, Wf, bf, Wpp, bpp, Wp, bp, Wl, bl, Wg, bg) = fl
    (e_data, ed_data, ep_data, a_data, as_data, ha_data, ca_data, it_data, v_idx, he_idx, ec, ecd) = il
    ed_d = ed_t[ed_data]; a_d = a_t[a_data]; it_d = it_t[it_data]; ep_d = ep_t[ep_data]
    ha_d = ha_t[ha_data]; ca_d = ca_t[ca_data]; as_d = as_t[as_data]
    x1 = _hgnnp(e_embed, t1w, t1b, v_idx, he_idx, True)
    x2 = _hgnnp(x1, t2w, t2b, v_idx, he_idx, False)
    e_conv = x2 + e_embed
    S = (e_conv @ c_embed.T) / (128.0 / 2.0)
    scores = jnp.take_along_axis(S, ec, axis=1)
    scores = jnp.where(ec == 0, -1e23, scores)
    w = jax.nn.softmax(scores, axis=1)
    rows = jnp.broadcast_to(jnp.arange(NV)[:, None], ec.shape)
    A = jnp.zeros((NV, N_C + 1), jnp.float32).at[rows, ec].add(w)
    c_full = A @ c_embed
    Bm = jnp.zeros((NV, N_DL + 1), jnp.float32).at[rows, ecd].add(w)
    cd_full = Bm @ cd_t
    e_d = e_conv[e_data]; c_d = c_full[e_data]; cd_d = cd_full[e_data]
    i_emb = jnp.concatenate([e_d, ed_d, ep_d, c_d, cd_d], axis=-1) @ Wi.T + bi
    def step(h_pre, xs):
        i, a, it, ha, ca, AS, itid = xs
        s_pred = jax.nn.sigmoid(jnp.concatenate([ha, ca, AS, it], 1) @ Wps.T + bps)
        fg = jnp.where(itid[:, None] > 1,
                       jax.nn.sigmoid(jnp.concatenate([h_pre, it], 1) @ Wf.T + bf),
                       jnp.ones_like(h_pre))
        h_f = fg * h_pre
        pre = jax.nn.relu(jnp.concatenate([i, h_f, ha, ca], 1) @ Wpp.T + bpp)
        pred = jax.nn.sigmoid(pre @ Wp.T + bp)
        lin = jnp.concatenate([i, h_f, a, ha, ca, AS], 1)
        lg = jnp.tanh(lin @ Wl.T + bl)
        g = jax.nn.sigmoid(lin @ Wg.T + bg)
        h_new = g * lg + (1.0 - g) * h_f
        return h_new, (pred[:, 0], s_pred[:, 0])
    xs = (jnp.swapaxes(i_emb, 0, 1), jnp.swapaxes(a_d, 0, 1), jnp.swapaxes(it_d, 0, 1),
          jnp.swapaxes(ha_d, 0, 1), jnp.swapaxes(ca_d, 0, 1), jnp.swapaxes(as_d, 0, 1),
          jnp.swapaxes(it_data, 0, 1))
    _, (pm, ps) = jax.lax.scan(step, deliver_h, xs)
    return jnp.swapaxes(pm, 0, 1), jnp.swapaxes(ps, 0, 1)


_FLOAT_KEYS = ['deliver_h', 'e_embed', 'c_embed', 'ed_embed_t', 'cd_embed_t', 'a_embed_t', 'it_embed_t', 'ep_embed_t', 'ha_embed_t', 'ca_embed_t', 'as_embed_t', 'theta1_w', 'theta1_b', 'theta2_w', 'theta2_b', 'Wi', 'bi', 'Wps', 'bps', 'Wf', 'bf', 'Wpp', 'bpp', 'Wp', 'bp', 'Wl', 'bl', 'Wg', 'bg']
_INT_KEYS = ['e_data', 'ed_data', 'ep_data', 'a_data', 'as_data', 'ha_data', 'ca_data', 'it_data', 'v_idx', 'he_idx', 'ec_matrix', 'ecd_matrix']


def reference(e_data, ed_data, ep_data, a_data, as_data, ha_data, ca_data, it_data,
              deliver_h, v_idx, he_idx, ec_matrix, ecd_matrix,
              e_embed, c_embed, ed_embed_t, cd_embed_t, a_embed_t, it_embed_t,
              ep_embed_t, ha_embed_t, ca_embed_t, as_embed_t,
              theta1_w, theta1_b, theta2_w, theta2_b,
              Wi, bi, Wps, bps, Wf, bf, Wpp, bpp, Wp, bp, Wl, bl, Wg, bg):
    inp = {
        'e_data': e_data, 'ed_data': ed_data, 'ep_data': ep_data, 'a_data': a_data,
        'as_data': as_data, 'ha_data': ha_data, 'ca_data': ca_data, 'it_data': it_data,
        'deliver_h': deliver_h, 'v_idx': v_idx, 'he_idx': he_idx,
        'ec_matrix': ec_matrix, 'ecd_matrix': ecd_matrix,
        'e_embed': e_embed, 'c_embed': c_embed, 'ed_embed_t': ed_embed_t,
        'cd_embed_t': cd_embed_t, 'a_embed_t': a_embed_t, 'it_embed_t': it_embed_t,
        'ep_embed_t': ep_embed_t, 'ha_embed_t': ha_embed_t, 'ca_embed_t': ca_embed_t,
        'as_embed_t': as_embed_t,
        'theta1_w': theta1_w, 'theta1_b': theta1_b, 'theta2_w': theta2_w, 'theta2_b': theta2_b,
        'Wi': Wi, 'bi': bi, 'Wps': Wps, 'bps': bps, 'Wf': Wf, 'bf': bf,
        'Wpp': Wpp, 'bpp': bpp, 'Wp': Wp, 'bp': bp, 'Wl': Wl, 'bl': bl, 'Wg': Wg, 'bg': bg,
    }
    fl = tuple(inp[k] for k in _FLOAT_KEYS)
    il = tuple(inp[k] for k in _INT_KEYS)
    return _forward(fl, il)

if __name__ == "__main__":
    import jax
    _d = setup_inputs()
    print(jax.jit(kernel)(*tuple(_d.values())))

</pallas_src>

<mosaic_0001>
#map = affine_map<(d0, d1) -> (0, 0)>
#map1 = affine_map<(d0, d1) -> (0)>
module attributes {stable_mosaic.version = 14 : i64} {
  func.func @gk(%arg0: i32, %arg1: i32, %arg2: memref<12288x128xf32, #tpu.memory_space<hbm>>, %arg3: memref<12288x512xf32, #tpu.memory_space<hbm>>, %arg4: memref<6400xi32, #tpu.memory_space<hbm>>, %arg5: memref<6400x128xf32, #tpu.memory_space<hbm>>, %arg6: memref<6400x512xf32, #tpu.memory_space<hbm>>, %arg7: memref<200xi32, #tpu.memory_space<vmem>>, %arg8: memref<40x128xf32, #tpu.memory_space<vmem>>, %arg9: memref<40x512xf32, #tpu.memory_space<vmem>>, %arg10: memref<!tpu.dma_semaphore, #tpu.memory_space<semaphore_mem>>) attributes {dimension_semantics = [#tpu.dimension_semantics<core_parallel>, #tpu.dimension_semantics<subcore_parallel>], iteration_bounds = array<i64: 2, 16>, scalar_prefetch = 0 : i64, scratch_operands = 4 : i64, tpu.core_type = #tpu.core_type<sc_vector_subcore>, window_params = [{transform_indices = #map}, {transform_indices = #map}, {transform_indices = #map1}, {transform_indices = #map}, {transform_indices = #map}]} {
    %mul3A = arith.constant 2 : i32
    %mul3A_0 = arith.muli %arg1, %mul3A : i32
    %add3A = arith.addi %mul3A_0, %arg0 : i32
    %mul3A_1 = arith.constant 200 : i32
    %mul3A_2 = arith.muli %add3A, %mul3A_1 : i32
    "tpu.region"() ({
      %run_scoped3A = tpu.sem_alloc : memref<!tpu.dma_semaphore, #tpu.memory_space<semaphore_mem>>
      %dma_start3A_121 = tpu.memref_slice %arg4[%mul3A_2] : memref<6400xi32, #tpu.memory_space<hbm>> -> memref<200xi32, #tpu.memory_space<hbm>>
      %dma_start3A_122 = tpu.memref_slice %arg4[%mul3A_2] : memref<6400xi32, #tpu.memory_space<hbm>> -> memref<200xi32, #tpu.memory_space<hbm>>
      tpu.enqueue_dma source(%dma_start3A_122 : memref<200xi32, #tpu.memory_space<hbm>>) target(%arg7 : memref<200xi32, #tpu.memory_space<vmem>>) target_semaphore(%run_scoped3A : memref<!tpu.dma_semaphore, #tpu.memory_space<semaphore_mem>>)
      %dma_wait3A_123 = tpu.memref_slice %arg4[%mul3A_2] : memref<6400xi32, #tpu.memory_space<hbm>> -> memref<200xi32, #tpu.memory_space<hbm>>
      %dma_wait3A_124 = tpu.memref_slice %arg4[%mul3A_2] : memref<6400xi32, #tpu.memory_space<hbm>> -> memref<200xi32, #tpu.memory_space<hbm>>
      tpu.wait_dma2 semaphore(%run_scoped3A : memref<!tpu.dma_semaphore, #tpu.memory_space<semaphore_mem>>) src(%dma_wait3A_124 : memref<200xi32, #tpu.memory_space<hbm>>) dst(%arg7 : memref<200xi32, #tpu.memory_space<vmem>>)
      tpu.yield
    }) : () -> ()
    %dma_start3A = arith.constant 0 : i32
    %dma_start3A_3 = tpu.memref_slice %arg7[%dma_start3A] : memref<200xi32, #tpu.memory_space<vmem>> -> memref<40xi32, #tpu.memory_space<vmem>>
    %dma_start3A_4 = arith.constant 0 : i32
    %dma_start3A_5 = arith.constant 0 : i32
    %dma_start3A_6 = tpu.memref_slice %arg2[%dma_start3A_4, %dma_start3A_5] : memref<12288x128xf32, #tpu.memory_space<hbm>> -> memref<12288x128xf32, #tpu.memory_space<hbm>>
    tpu.enqueue_indirect_dma source(%dma_start3A_6 : memref<12288x128xf32, #tpu.memory_space<hbm>>) target(%arg8 : memref<40x128xf32, #tpu.memory_space<vmem>>) offsets(%dma_start3A_3 : memref<40xi32, #tpu.memory_space<vmem>>) semaphore(%arg10 : memref<!tpu.dma_semaphore, #tpu.memory_space<semaphore_mem>>)
    %dma_wait3A = arith.constant 0 : i32
    %dma_wait3A_7 = tpu.memref_slice %arg7[%dma_wait3A] : memref<200xi32, #tpu.memory_space<vmem>> -> memref<40xi32, #tpu.memory_space<vmem>>
    %dma_wait3A_8 = arith.constant 0 : i32
    %dma_wait3A_9 = arith.constant 0 : i32
    %dma_wait3A_10 = tpu.memref_slice %arg2[%dma_wait3A_8, %dma_wait3A_9] : memref<12288x128xf32, #tpu.memory_space<hbm>> -> memref<12288x128xf32, #tpu.memory_space<hbm>>
    tpu.wait_indirect_dma semaphore(%arg10 : memref<!tpu.dma_semaphore, #tpu.memory_space<semaphore_mem>>) src(%dma_wait3A_10 : memref<12288x128xf32, #tpu.memory_space<hbm>>) dst(%arg8 : memref<40x128xf32, #tpu.memory_space<vmem>>)
    %add3A_11 = arith.constant 0 : i32
    %add3A_12 = arith.addi %mul3A_2, %add3A_11 : i32
    "tpu.region"() ({
      %run_scoped3A = tpu.sem_alloc : memref<!tpu.dma_semaphore, #tpu.memory_space<semaphore_mem>>
      %dma_start3A_121 = arith.constant 0 : i32
      %dma_start3A_122 = tpu.memref_slice %arg5[%add3A_12, %dma_start3A_121] : memref<6400x128xf32, #tpu.memory_space<hbm>> -> memref<40x128xf32, #tpu.memory_space<hbm>>
      %dma_start3A_123 = arith.constant 0 : i32
      %dma_start3A_124 = tpu.memref_slice %arg5[%add3A_12, %dma_start3A_123] : memref<6400x128xf32, #tpu.memory_space<hbm>> -> memref<40x128xf32, #tpu.memory_space<hbm>>
      tpu.enqueue_dma source(%arg8 : memref<40x128xf32, #tpu.memory_space<vmem>>) target(%dma_start3A_124 : memref<40x128xf32, #tpu.memory_space<hbm>>) target_semaphore(%run_scoped3A : memref<!tpu.dma_semaphore, #tpu.memory_space<semaphore_mem>>)
      %dma_wait3A_125 = arith.constant 0 : i32
      %dma_wait3A_126 = tpu.memref_slice %arg5[%add3A_12, %dma_wait3A_125] : memref<6400x128xf32, #tpu.memory_space<hbm>> -> memref<40x128xf32, #tpu.memory_space<hbm>>
      %dma_wait3A_127 = arith.constant 0 : i32
      %dma_wait3A_128 = tpu.memref_slice %arg5[%add3A_12, %dma_wait3A_127] : memref<6400x128xf32, #tpu.memory_space<hbm>> -> memref<40x128xf32, #tpu.memory_space<hbm>>
      tpu.wait_dma2 semaphore(%run_scoped3A : memref<!tpu.dma_semaphore, #tpu.memory_space<semaphore_mem>>) src(%arg8 : memref<40x128xf32, #tpu.memory_space<vmem>>) dst(%dma_wait3A_128 : memref<40x128xf32, #tpu.memory_space<hbm>>)
      tpu.yield
    }) : () -> ()
    %dma_start3A_13 = arith.constant 40 : i32
    %dma_start3A_14 = tpu.memref_slice %arg7[%dma_start3A_13] : memref<200xi32, #tpu.memory_space<vmem>> -> memref<40xi32, #tpu.memory_space<vmem>>
    %dma_start3A_15 = arith.constant 0 : i32
    %dma_start3A_16 = arith.constant 0 : i32
    %dma_start3A_17 = tpu.memref_slice %arg2[%dma_start3A_15, %dma_start3A_16] : memref<12288x128xf32, #tpu.memory_space<hbm>> -> memref<12288x128xf32, #tpu.memory_space<hbm>>
    tpu.enqueue_indirect_dma source(%dma_start3A_17 : memref<12288x128xf32, #tpu.memory_space<hbm>>) target(%arg8 : memref<40x128xf32, #tpu.memory_space<vmem>>) offsets(%dma_start3A_14 : memref<40xi32, #tpu.memory_space<vmem>>) semaphore(%arg10 : memref<!tpu.dma_semaphore, #tpu.memory_space<semaphore_mem>>)
    %dma_wait3A_18 = arith.constant 40 : i32
    %dma_wait3A_19 = tpu.memref_slice %arg7[%dma_wait3A_18] : memref<200xi32, #tpu.memory_space<vmem>> -> memref<40xi32, #tpu.memory_space<vmem>>
    %dma_wait3A_20 = arith.constant 0 : i32
    %dma_wait3A_21 = arith.constant 0 : i32
    %dma_wait3A_22 = tpu.memref_slice %arg2[%dma_wait3A_20, %dma_wait3A_21] : memref<12288x128xf32, #tpu.memory_space<hbm>> -> memref<12288x128xf32, #tpu.memory_space<hbm>>
    tpu.wait_indirect_dma semaphore(%arg10 : memref<!tpu.dma_semaphore, #tpu.memory_space<semaphore_mem>>) src(%dma_wait3A_22 : memref<12288x128xf32, #tpu.memory_space<hbm>>) dst(%arg8 : memref<40x128xf32, #tpu.memory_space<vmem>>)
    %add3A_23 = arith.constant 40 : i32
    %add3A_24 = arith.addi %mul3A_2, %add3A_23 : i32
    "tpu.region"() ({
      %run_scoped3A = tpu.sem_alloc : memref<!tpu.dma_semaphore, #tpu.memory_space<semaphore_mem>>
      %dma_start3A_121 = arith.constant 0 : i32
      %dma_start3A_122 = tpu.memref_slice %arg5[%add3A_24, %dma_start3A_121] : memref<6400x128xf32, #tpu.memory_space<hbm>> -> memref<40x128xf32, #tpu.memory_space<hbm>>
      %dma_start3A_123 = arith.constant 0 : i32
      %dma_start3A_124 = tpu.memref_slice %arg5[%add3A_24, %dma_start3A_123] : memref<6400x128xf32, #tpu.memory_space<hbm>> -> memref<40x128xf32, #tpu.memory_space<hbm>>
      tpu.enqueue_dma source(%arg8 : memref<40x128xf32, #tpu.memory_space<vmem>>) target(%dma_start3A_124 : memref<40x128xf32, #tpu.memory_space<hbm>>) target_semaphore(%run_scoped3A : memref<!tpu.dma_semaphore, #tpu.memory_space<semaphore_mem>>)
      %dma_wait3A_125 = arith.constant 0 : i32
      %dma_wait3A_126 = tpu.memref_slice %arg5[%add3A_24, %dma_wait3A_125] : memref<6400x128xf32, #tpu.memory_space<hbm>> -> memref<40x128xf32, #tpu.memory_space<hbm>>
      %dma_wait3A_127 = arith.constant 0 : i32
      %dma_wait3A_128 = tpu.memref_slice %arg5[%add3A_24, %dma_wait3A_127] : memref<6400x128xf32, #tpu.memory_space<hbm>> -> memref<40x128xf32, #tpu.memory_space<hbm>>
      tpu.wait_dma2 semaphore(%run_scoped3A : memref<!tpu.dma_semaphore, #tpu.memory_space<semaphore_mem>>) src(%arg8 : memref<40x128xf32, #tpu.memory_space<vmem>>) dst(%dma_wait3A_128 : memref<40x128xf32, #tpu.memory_space<hbm>>)
      tpu.yield
    }) : () -> ()
    %dma_start3A_25 = arith.constant 80 : i32
    %dma_start3A_26 = tpu.memref_slice %arg7[%dma_start3A_25] : memref<200xi32, #tpu.memory_space<vmem>> -> memref<40xi32, #tpu.memory_space<vmem>>
    %dma_start3A_27 = arith.constant 0 : i32
    %dma_start3A_28 = arith.constant 0 : i32
    %dma_start3A_29 = tpu.memref_slice %arg2[%dma_start3A_27, %dma_start3A_28] : memref<12288x128xf32, #tpu.memory_space<hbm>> -> memref<12288x128xf32, #tpu.memory_space<hbm>>
    tpu.enqueue_indirect_dma source(%dma_start3A_29 : memref<12288x128xf32, #tpu.memory_space<hbm>>) target(%arg8 : memref<40x128xf32, #tpu.memory_space<vmem>>) offsets(%dma_start3A_26 : memref<40xi32, #tpu.memory_space<vmem>>) semaphore(%arg10 : memref<!tpu.dma_semaphore, #tpu.memory_space<semaphore_mem>>)
    %dma_wait3A_30 = arith.constant 80 : i32
    %dma_wait3A_31 = tpu.memref_slice %arg7[%dma_wait3A_30] : memref<200xi32, #tpu.memory_space<vmem>> -> memref<40xi32, #tpu.memory_space<vmem>>
    %dma_wait3A_32 = arith.constant 0 : i32
    %dma_wait3A_33 = arith.constant 0 : i32
    %dma_wait3A_34 = tpu.memref_slice %arg2[%dma_wait3A_32, %dma_wait3A_33] : memref<12288x128xf32, #tpu.memory_space<hbm>> -> memref<12288x128xf32, #tpu.memory_space<hbm>>
    tpu.wait_indirect_dma semaphore(%arg10 : memref<!tpu.dma_semaphore, #tpu.memory_space<semaphore_mem>>) src(%dma_wait3A_34 : memref<12288x128xf32, #tpu.memory_space<hbm>>) dst(%arg8 : memref<40x128xf32, #tpu.memory_space<vmem>>)
    %add3A_35 = arith.constant 80 : i32
    %add3A_36 = arith.addi %mul3A_2, %add3A_35 : i32
    "tpu.region"() ({
      %run_scoped3A = tpu.sem_alloc : memref<!tpu.dma_semaphore, #tpu.memory_space<semaphore_mem>>
      %dma_start3A_121 = arith.constant 0 : i32
      %dma_start3A_122 = tpu.memref_slice %arg5[%add3A_36, %dma_start3A_121] : memref<6400x128xf32, #tpu.memory_space<hbm>> -> memref<40x128xf32, #tpu.memory_space<hbm>>
      %dma_start3A_123 = arith.constant 0 : i32
      %dma_start3A_124 = tpu.memref_slice %arg5[%add3A_36, %dma_start3A_123] : memref<6400x128xf32, #tpu.memory_space<hbm>> -> memref<40x128xf32, #tpu.memory_space<hbm>>
      tpu.enqueue_dma source(%arg8 : memref<40x128xf32, #tpu.memory_space<vmem>>) target(%dma_start3A_124 : memref<40x128xf32, #tpu.memory_space<hbm>>) target_semaphore(%run_scoped3A : memref<!tpu.dma_semaphore, #tpu.memory_space<semaphore_mem>>)
      %dma_wait3A_125 = arith.constant 0 : i32
      %dma_wait3A_126 = tpu.memref_slice %arg5[%add3A_36, %dma_wait3A_125] : memref<6400x128xf32, #tpu.memory_space<hbm>> -> memref<40x128xf32, #tpu.memory_space<hbm>>
      %dma_wait3A_127 = arith.constant 0 : i32
      %dma_wait3A_128 = tpu.memref_slice %arg5[%add3A_36, %dma_wait3A_127] : memref<6400x128xf32, #tpu.memory_space<hbm>> -> memref<40x128xf32, #tpu.memory_space<hbm>>
      tpu.wait_dma2 semaphore(%run_scoped3A : memref<!tpu.dma_semaphore, #tpu.memory_space<semaphore_mem>>) src(%arg8 : memref<40x128xf32, #tpu.memory_space<vmem>>) dst(%dma_wait3A_128 : memref<40x128xf32, #tpu.memory_space<hbm>>)
      tpu.yield
    }) : () -> ()
    %dma_start3A_37 = arith.constant 120 : i32
    %dma_start3A_38 = tpu.memref_slice %arg7[%dma_start3A_37] : memref<200xi32, #tpu.memory_space<vmem>> -> memref<40xi32, #tpu.memory_space<vmem>>
    %dma_start3A_39 = arith.constant 0 : i32
    %dma_start3A_40 = arith.constant 0 : i32
    %dma_start3A_41 = tpu.memref_slice %arg2[%dma_start3A_39, %dma_start3A_40] : memref<12288x128xf32, #tpu.memory_space<hbm>> -> memref<12288x128xf32, #tpu.memory_space<hbm>>
    tpu.enqueue_indirect_dma source(%dma_start3A_41 : memref<12288x128xf32, #tpu.memory_space<hbm>>) target(%arg8 : memref<40x128xf32, #tpu.memory_space<vmem>>) offsets(%dma_start3A_38 : memref<40xi32, #tpu.memory_space<vmem>>) semaphore(%arg10 : memref<!tpu.dma_semaphore, #tpu.memory_space<semaphore_mem>>)
    %dma_wait3A_42 = arith.constant 120 : i32
    %dma_wait3A_43 = tpu.memref_slice %arg7[%dma_wait3A_42] : memref<200xi32, #tpu.memory_space<vmem>> -> memref<40xi32, #tpu.memory_space<vmem>>
    %dma_wait3A_44 = arith.constant 0 : i32
    %dma_wait3A_45 = arith.constant 0 : i32
    %dma_wait3A_46 = tpu.memref_slice %arg2[%dma_wait3A_44, %dma_wait3A_45] : memref<12288x128xf32, #tpu.memory_space<hbm>> -> memref<12288x128xf32, #tpu.memory_space<hbm>>
    tpu.wait_indirect_dma semaphore(%arg10 : memref<!tpu.dma_semaphore, #tpu.memory_space<semaphore_mem>>) src(%dma_wait3A_46 : memref<12288x128xf32, #tpu.memory_space<hbm>>) dst(%arg8 : memref<40x128xf32, #tpu.memory_space<vmem>>)
    %add3A_47 = arith.constant 120 : i32
    %add3A_48 = arith.addi %mul3A_2, %add3A_47 : i32
    "tpu.region"() ({
      %run_scoped3A = tpu.sem_alloc : memref<!tpu.dma_semaphore, #tpu.memory_space<semaphore_mem>>
      %dma_start3A_121 = arith.constant 0 : i32
      %dma_start3A_122 = tpu.memref_slice %arg5[%add3A_48, %dma_start3A_121] : memref<6400x128xf32, #tpu.memory_space<hbm>> -> memref<40x128xf32, #tpu.memory_space<hbm>>
      %dma_start3A_123 = arith.constant 0 : i32
      %dma_start3A_124 = tpu.memref_slice %arg5[%add3A_48, %dma_start3A_123] : memref<6400x128xf32, #tpu.memory_space<hbm>> -> memref<40x128xf32, #tpu.memory_space<hbm>>
      tpu.enqueue_dma source(%arg8 : memref<40x128xf32, #tpu.memory_space<vmem>>) target(%dma_start3A_124 : memref<40x128xf32, #tpu.memory_space<hbm>>) target_semaphore(%run_scoped3A : memref<!tpu.dma_semaphore, #tpu.memory_space<semaphore_mem>>)
      %dma_wait3A_125 = arith.constant 0 : i32
      %dma_wait3A_126 = tpu.memref_slice %arg5[%add3A_48, %dma_wait3A_125] : memref<6400x128xf32, #tpu.memory_space<hbm>> -> memref<40x128xf32, #tpu.memory_space<hbm>>
      %dma_wait3A_127 = arith.constant 0 : i32
      %dma_wait3A_128 = tpu.memref_slice %arg5[%add3A_48, %dma_wait3A_127] : memref<6400x128xf32, #tpu.memory_space<hbm>> -> memref<40x128xf32, #tpu.memory_space<hbm>>
      tpu.wait_dma2 semaphore(%run_scoped3A : memref<!tpu.dma_semaphore, #tpu.memory_space<semaphore_mem>>) src(%arg8 : memref<40x128xf32, #tpu.memory_space<vmem>>) dst(%dma_wait3A_128 : memref<40x128xf32, #tpu.memory_space<hbm>>)
      tpu.yield
    }) : () -> ()
    %dma_start3A_49 = arith.constant 160 : i32
    %dma_start3A_50 = tpu.memref_slice %arg7[%dma_start3A_49] : memref<200xi32, #tpu.memory_space<vmem>> -> memref<40xi32, #tpu.memory_space<vmem>>
    %dma_start3A_51 = arith.constant 0 : i32
    %dma_start3A_52 = arith.constant 0 : i32
    %dma_start3A_53 = tpu.memref_slice %arg2[%dma_start3A_51, %dma_start3A_52] : memref<12288x128xf32, #tpu.memory_space<hbm>> -> memref<12288x128xf32, #tpu.memory_space<hbm>>
    tpu.enqueue_indirect_dma source(%dma_start3A_53 : memref<12288x128xf32, #tpu.memory_space<hbm>>) target(%arg8 : memref<40x128xf32, #tpu.memory_space<vmem>>) offsets(%dma_start3A_50 : memref<40xi32, #tpu.memory_space<vmem>>) semaphore(%arg10 : memref<!tpu.dma_semaphore, #tpu.memory_space<semaphore_mem>>)
    %dma_wait3A_54 = arith.constant 160 : i32
    %dma_wait3A_55 = tpu.memref_slice %arg7[%dma_wait3A_54] : memref<200xi32, #tpu.memory_space<vmem>> -> memref<40xi32, #tpu.memory_space<vmem>>
    %dma_wait3A_56 = arith.constant 0 : i32
    %dma_wait3A_57 = arith.constant 0 : i32
    %dma_wait3A_58 = tpu.memref_slice %arg2[%dma_wait3A_56, %dma_wait3A_57] : memref<12288x128xf32, #tpu.memory_space<hbm>> -> memref<12288x128xf32, #tpu.memory_space<hbm>>
    tpu.wait_indirect_dma semaphore(%arg10 : memref<!tpu.dma_semaphore, #tpu.memory_space<semaphore_mem>>) src(%dma_wait3A_58 : memref<12288x128xf32, #tpu.memory_space<hbm>>) dst(%arg8 : memref<40x128xf32, #tpu.memory_space<vmem>>)
    %add3A_59 = arith.constant 160 : i32
    %add3A_60 = arith.addi %mul3A_2, %add3A_59 : i32
    "tpu.region"() ({
      %run_scoped3A = tpu.sem_alloc : memref<!tpu.dma_semaphore, #tpu.memory_space<semaphore_mem>>
      %dma_start3A_121 = arith.constant 0 : i32
      %dma_start3A_122 = tpu.memref_slice %arg5[%add3A_60, %dma_start3A_121] : memref<6400x128xf32, #tpu.memory_space<hbm>> -> memref<40x128xf32, #tpu.memory_space<hbm>>
      %dma_start3A_123 = arith.constant 0 : i32
      %dma_start3A_124 = tpu.memref_slice %arg5[%add3A_60, %dma_start3A_123] : memref<6400x128xf32, #tpu.memory_space<hbm>> -> memref<40x128xf32, #tpu.memory_space<hbm>>
      tpu.enqueue_dma source(%arg8 : memref<40x128xf32, #tpu.memory_space<vmem>>) target(%dma_start3A_124 : memref<40x128xf32, #tpu.memory_space<hbm>>) target_semaphore(%run_scoped3A : memref<!tpu.dma_semaphore, #tpu.memory_space<semaphore_mem>>)
      %dma_wait3A_125 = arith.constant 0 : i32
      %dma_wait3A_126 = tpu.memref_slice %arg5[%add3A_60, %dma_wait3A_125] : memref<6400x128xf32, #tpu.memory_space<hbm>> -> memref<40x128xf32, #tpu.memory_space<hbm>>
      %dma_wait3A_127 = arith.constant 0 : i32
      %dma_wait3A_128 = tpu.memref_slice %arg5[%add3A_60, %dma_wait3A_127] : memref<6400x128xf32, #tpu.memory_space<hbm>> -> memref<40x128xf32, #tpu.memory_space<hbm>>
      tpu.wait_dma2 semaphore(%run_scoped3A : memref<!tpu.dma_semaphore, #tpu.memory_space<semaphore_mem>>) src(%arg8 : memref<40x128xf32, #tpu.memory_space<vmem>>) dst(%dma_wait3A_128 : memref<40x128xf32, #tpu.memory_space<hbm>>)
      tpu.yield
    }) : () -> ()
    %dma_start3A_61 = arith.constant 0 : i32
    %dma_start3A_62 = tpu.memref_slice %arg7[%dma_start3A_61] : memref<200xi32, #tpu.memory_space<vmem>> -> memref<40xi32, #tpu.memory_space<vmem>>
    %dma_start3A_63 = arith.constant 0 : i32
    %dma_start3A_64 = arith.constant 0 : i32
    %dma_start3A_65 = tpu.memref_slice %arg3[%dma_start3A_63, %dma_start3A_64] : memref<12288x512xf32, #tpu.memory_space<hbm>> -> memref<12288x512xf32, #tpu.memory_space<hbm>>
    tpu.enqueue_indirect_dma source(%dma_start3A_65 : memref<12288x512xf32, #tpu.memory_space<hbm>>) target(%arg9 : memref<40x512xf32, #tpu.memory_space<vmem>>) offsets(%dma_start3A_62 : memref<40xi32, #tpu.memory_space<vmem>>) semaphore(%arg10 : memref<!tpu.dma_semaphore, #tpu.memory_space<semaphore_mem>>)
    %dma_wait3A_66 = arith.constant 0 : i32
    %dma_wait3A_67 = tpu.memref_slice %arg7[%dma_wait3A_66] : memref<200xi32, #tpu.memory_space<vmem>> -> memref<40xi32, #tpu.memory_space<vmem>>
    %dma_wait3A_68 = arith.constant 0 : i32
    %dma_wait3A_69 = arith.constant 0 : i32
    %dma_wait3A_70 = tpu.memref_slice %arg3[%dma_wait3A_68, %dma_wait3A_69] : memref<12288x512xf32, #tpu.memory_space<hbm>> -> memref<12288x512xf32, #tpu.memory_space<hbm>>
    tpu.wait_indirect_dma semaphore(%arg10 : memref<!tpu.dma_semaphore, #tpu.memory_space<semaphore_mem>>) src(%dma_wait3A_70 : memref<12288x512xf32, #tpu.memory_space<hbm>>) dst(%arg9 : memref<40x512xf32, #tpu.memory_space<vmem>>)
    %add3A_71 = arith.constant 0 : i32
    %add3A_72 = arith.addi %mul3A_2, %add3A_71 : i32
    "tpu.region"() ({
      %run_scoped3A = tpu.sem_alloc : memref<!tpu.dma_semaphore, #tpu.memory_space<semaphore_mem>>
      %dma_start3A_121 = arith.constant 0 : i32
      %dma_start3A_122 = tpu.memref_slice %arg6[%add3A_72, %dma_start3A_121] : memref<6400x512xf32, #tpu.memory_space<hbm>> -> memref<40x512xf32, #tpu.memory_space<hbm>>
      %dma_start3A_123 = arith.constant 0 : i32
      %dma_start3A_124 = tpu.memref_slice %arg6[%add3A_72, %dma_start3A_123] : memref<6400x512xf32, #tpu.memory_space<hbm>> -> memref<40x512xf32, #tpu.memory_space<hbm>>
      tpu.enqueue_dma source(%arg9 : memref<40x512xf32, #tpu.memory_space<vmem>>) target(%dma_start3A_124 : memref<40x512xf32, #tpu.memory_space<hbm>>) target_semaphore(%run_scoped3A : memref<!tpu.dma_semaphore, #tpu.memory_space<semaphore_mem>>)
      %dma_wait3A_125 = arith.constant 0 : i32
      %dma_wait3A_126 = tpu.memref_slice %arg6[%add3A_72, %dma_wait3A_125] : memref<6400x512xf32, #tpu.memory_space<hbm>> -> memref<40x512xf32, #tpu.memory_space<hbm>>
      %dma_wait3A_127 = arith.constant 0 : i32
      %dma_wait3A_128 = tpu.memref_slice %arg6[%add3A_72, %dma_wait3A_127] : memref<6400x512xf32, #tpu.memory_space<hbm>> -> memref<40x512xf32, #tpu.memory_space<hbm>>
      tpu.wait_dma2 semaphore(%run_scoped3A : memref<!tpu.dma_semaphore, #tpu.memory_space<semaphore_mem>>) src(%arg9 : memref<40x512xf32, #tpu.memory_space<vmem>>) dst(%dma_wait3A_128 : memref<40x512xf32, #tpu.memory_space<hbm>>)
      tpu.yield
    }) : () -> ()
    %dma_start3A_73 = arith.constant 40 : i32
    %dma_start3A_74 = tpu.memref_slice %arg7[%dma_start3A_73] : memref<200xi32, #tpu.memory_space<vmem>> -> memref<40xi32, #tpu.memory_space<vmem>>
    %dma_start3A_75 = arith.constant 0 : i32
    %dma_start3A_76 = arith.constant 0 : i32
    %dma_start3A_77 = tpu.memref_slice %arg3[%dma_start3A_75, %dma_start3A_76] : memref<12288x512xf32, #tpu.memory_space<hbm>> -> memref<12288x512xf32, #tpu.memory_space<hbm>>
    tpu.enqueue_indirect_dma source(%dma_start3A_77 : memref<12288x512xf32, #tpu.memory_space<hbm>>) target(%arg9 : memref<40x512xf32, #tpu.memory_space<vmem>>) offsets(%dma_start3A_74 : memref<40xi32, #tpu.memory_space<vmem>>) semaphore(%arg10 : memref<!tpu.dma_semaphore, #tpu.memory_space<semaphore_mem>>)
    %dma_wait3A_78 = arith.constant 40 : i32
    %dma_wait3A_79 = tpu.memref_slice %arg7[%dma_wait3A_78] : memref<200xi32, #tpu.memory_space<vmem>> -> memref<40xi32, #tpu.memory_space<vmem>>
    %dma_wait3A_80 = arith.constant 0 : i32
    %dma_wait3A_81 = arith.constant 0 : i32
    %dma_wait3A_82 = tpu.memref_slice %arg3[%dma_wait3A_80, %dma_wait3A_81] : memref<12288x512xf32, #tpu.memory_space<hbm>> -> memref<12288x512xf32, #tpu.memory_space<hbm>>
    tpu.wait_indirect_dma semaphore(%arg10 : memref<!tpu.dma_semaphore, #tpu.memory_space<semaphore_mem>>) src(%dma_wait3A_82 : memref<12288x512xf32, #tpu.memory_space<hbm>>) dst(%arg9 : memref<40x512xf32, #tpu.memory_space<vmem>>)
    %add3A_83 = arith.constant 40 : i32
    %add3A_84 = arith.addi %mul3A_2, %add3A_83 : i32
    "tpu.region"() ({
      %run_scoped3A = tpu.sem_alloc : memref<!tpu.dma_semaphore, #tpu.memory_space<semaphore_mem>>
      %dma_start3A_121 = arith.constant 0 : i32
      %dma_start3A_122 = tpu.memref_slice %arg6[%add3A_84, %dma_start3A_121] : memref<6400x512xf32, #tpu.memory_space<hbm>> -> memref<40x512xf32, #tpu.memory_space<hbm>>
      %dma_start3A_123 = arith.constant 0 : i32
      %dma_start3A_124 = tpu.memref_slice %arg6[%add3A_84, %dma_start3A_123] : memref<6400x512xf32, #tpu.memory_space<hbm>> -> memref<40x512xf32, #tpu.memory_space<hbm>>
      tpu.enqueue_dma source(%arg9 : memref<40x512xf32, #tpu.memory_space<vmem>>) target(%dma_start3A_124 : memref<40x512xf32, #tpu.memory_space<hbm>>) target_semaphore(%run_scoped3A : memref<!tpu.dma_semaphore, #tpu.memory_space<semaphore_mem>>)
      %dma_wait3A_125 = arith.constant 0 : i32
      %dma_wait3A_126 = tpu.memref_slice %arg6[%add3A_84, %dma_wait3A_125] : memref<6400x512xf32, #tpu.memory_space<hbm>> -> memref<40x512xf32, #tpu.memory_space<hbm>>
      %dma_wait3A_127 = arith.constant 0 : i32
      %dma_wait3A_128 = tpu.memref_slice %arg6[%add3A_84, %dma_wait3A_127] : memref<6400x512xf32, #tpu.memory_space<hbm>> -> memref<40x512xf32, #tpu.memory_space<hbm>>
      tpu.wait_dma2 semaphore(%run_scoped3A : memref<!tpu.dma_semaphore, #tpu.memory_space<semaphore_mem>>) src(%arg9 : memref<40x512xf32, #tpu.memory_space<vmem>>) dst(%dma_wait3A_128 : memref<40x512xf32, #tpu.memory_space<hbm>>)
      tpu.yield
    }) : () -> ()
    %dma_start3A_85 = arith.constant 80 : i32
    %dma_start3A_86 = tpu.memref_slice %arg7[%dma_start3A_85] : memref<200xi32, #tpu.memory_space<vmem>> -> memref<40xi32, #tpu.memory_space<vmem>>
    %dma_start3A_87 = arith.constant 0 : i32
    %dma_start3A_88 = arith.constant 0 : i32
    %dma_start3A_89 = tpu.memref_slice %arg3[%dma_start3A_87, %dma_start3A_88] : memref<12288x512xf32, #tpu.memory_space<hbm>> -> memref<12288x512xf32, #tpu.memory_space<hbm>>
    tpu.enqueue_indirect_dma source(%dma_start3A_89 : memref<12288x512xf32, #tpu.memory_space<hbm>>) target(%arg9 : memref<40x512xf32, #tpu.memory_space<vmem>>) offsets(%dma_start3A_86 : memref<40xi32, #tpu.memory_space<vmem>>) semaphore(%arg10 : memref<!tpu.dma_semaphore, #tpu.memory_space<semaphore_mem>>)
    %dma_wait3A_90 = arith.constant 80 : i32
    %dma_wait3A_91 = tpu.memref_slice %arg7[%dma_wait3A_90] : memref<200xi32, #tpu.memory_space<vmem>> -> memref<40xi32, #tpu.memory_space<vmem>>
    %dma_wait3A_92 = arith.constant 0 : i32
    %dma_wait3A_93 = arith.constant 0 : i32
    %dma_wait3A_94 = tpu.memref_slice %arg3[%dma_wait3A_92, %dma_wait3A_93] : memref<12288x512xf32, #tpu.memory_space<hbm>> -> memref<12288x512xf32, #tpu.memory_space<hbm>>
    tpu.wait_indirect_dma semaphore(%arg10 : memref<!tpu.dma_semaphore, #tpu.memory_space<semaphore_mem>>) src(%dma_wait3A_94 : memref<12288x512xf32, #tpu.memory_space<hbm>>) dst(%arg9 : memref<40x512xf32, #tpu.memory_space<vmem>>)
    %add3A_95 = arith.constant 80 : i32
    %add3A_96 = arith.addi %mul3A_2, %add3A_95 : i32
    "tpu.region"() ({
      %run_scoped3A = tpu.sem_alloc : memref<!tpu.dma_semaphore, #tpu.memory_space<semaphore_mem>>
      %dma_start3A_121 = arith.constant 0 : i32
      %dma_start3A_122 = tpu.memref_slice %arg6[%add3A_96, %dma_start3A_121] : memref<6400x512xf32, #tpu.memory_space<hbm>> -> memref<40x512xf32, #tpu.memory_space<hbm>>
      %dma_start3A_123 = arith.constant 0 : i32
      %dma_start3A_124 = tpu.memref_slice %arg6[%add3A_96, %dma_start3A_123] : memref<6400x512xf32, #tpu.memory_space<hbm>> -> memref<40x512xf32, #tpu.memory_space<hbm>>
      tpu.enqueue_dma source(%arg9 : memref<40x512xf32, #tpu.memory_space<vmem>>) target(%dma_start3A_124 : memref<40x512xf32, #tpu.memory_space<hbm>>) target_semaphore(%run_scoped3A : memref<!tpu.dma_semaphore, #tpu.memory_space<semaphore_mem>>)
      %dma_wait3A_125 = arith.constant 0 : i32
      %dma_wait3A_126 = tpu.memref_slice %arg6[%add3A_96, %dma_wait3A_125] : memref<6400x512xf32, #tpu.memory_space<hbm>> -> memref<40x512xf32, #tpu.memory_space<hbm>>
      %dma_wait3A_127 = arith.constant 0 : i32
      %dma_wait3A_128 = tpu.memref_slice %arg6[%add3A_96, %dma_wait3A_127] : memref<6400x512xf32, #tpu.memory_space<hbm>> -> memref<40x512xf32, #tpu.memory_space<hbm>>
      tpu.wait_dma2 semaphore(%run_scoped3A : memref<!tpu.dma_semaphore, #tpu.memory_space<semaphore_mem>>) src(%arg9 : memref<40x512xf32, #tpu.memory_space<vmem>>) dst(%dma_wait3A_128 : memref<40x512xf32, #tpu.memory_space<hbm>>)
      tpu.yield
    }) : () -> ()
    %dma_start3A_97 = arith.constant 120 : i32
    %dma_start3A_98 = tpu.memref_slice %arg7[%dma_start3A_97] : memref<200xi32, #tpu.memory_space<vmem>> -> memref<40xi32, #tpu.memory_space<vmem>>
    %dma_start3A_99 = arith.constant 0 : i32
    %dma_start3A_100 = arith.constant 0 : i32
    %dma_start3A_101 = tpu.memref_slice %arg3[%dma_start3A_99, %dma_start3A_100] : memref<12288x512xf32, #tpu.memory_space<hbm>> -> memref<12288x512xf32, #tpu.memory_space<hbm>>
    tpu.enqueue_indirect_dma source(%dma_start3A_101 : memref<12288x512xf32, #tpu.memory_space<hbm>>) target(%arg9 : memref<40x512xf32, #tpu.memory_space<vmem>>) offsets(%dma_start3A_98 : memref<40xi32, #tpu.memory_space<vmem>>) semaphore(%arg10 : memref<!tpu.dma_semaphore, #tpu.memory_space<semaphore_mem>>)
    %dma_wait3A_102 = arith.constant 120 : i32
    %dma_wait3A_103 = tpu.memref_slice %arg7[%dma_wait3A_102] : memref<200xi32, #tpu.memory_space<vmem>> -> memref<40xi32, #tpu.memory_space<vmem>>
    %dma_wait3A_104 = arith.constant 0 : i32
    %dma_wait3A_105 = arith.constant 0 : i32
    %dma_wait3A_106 = tpu.memref_slice %arg3[%dma_wait3A_104, %dma_wait3A_105] : memref<12288x512xf32, #tpu.memory_space<hbm>> -> memref<12288x512xf32, #tpu.memory_space<hbm>>
    tpu.wait_indirect_dma semaphore(%arg10 : memref<!tpu.dma_semaphore, #tpu.memory_space<semaphore_mem>>) src(%dma_wait3A_106 : memref<12288x512xf32, #tpu.memory_space<hbm>>) dst(%arg9 : memref<40x512xf32, #tpu.memory_space<vmem>>)
    %add3A_107 = arith.constant 120 : i32
    %add3A_108 = arith.addi %mul3A_2, %add3A_107 : i32
    "tpu.region"() ({
      %run_scoped3A = tpu.sem_alloc : memref<!tpu.dma_semaphore, #tpu.memory_space<semaphore_mem>>
      %dma_start3A_121 = arith.constant 0 : i32
      %dma_start3A_122 = tpu.memref_slice %arg6[%add3A_108, %dma_start3A_121] : memref<6400x512xf32, #tpu.memory_space<hbm>> -> memref<40x512xf32, #tpu.memory_space<hbm>>
      %dma_start3A_123 = arith.constant 0 : i32
      %dma_start3A_124 = tpu.memref_slice %arg6[%add3A_108, %dma_start3A_123] : memref<6400x512xf32, #tpu.memory_space<hbm>> -> memref<40x512xf32, #tpu.memory_space<hbm>>
      tpu.enqueue_dma source(%arg9 : memref<40x512xf32, #tpu.memory_space<vmem>>) target(%dma_start3A_124 : memref<40x512xf32, #tpu.memory_space<hbm>>) target_semaphore(%run_scoped3A : memref<!tpu.dma_semaphore, #tpu.memory_space<semaphore_mem>>)
      %dma_wait3A_125 = arith.constant 0 : i32
      %dma_wait3A_126 = tpu.memref_slice %arg6[%add3A_108, %dma_wait3A_125] : memref<6400x512xf32, #tpu.memory_space<hbm>> -> memref<40x512xf32, #tpu.memory_space<hbm>>
      %dma_wait3A_127 = arith.constant 0 : i32
      %dma_wait3A_128 = tpu.memref_slice %arg6[%add3A_108, %dma_wait3A_127] : memref<6400x512xf32, #tpu.memory_space<hbm>> -> memref<40x512xf32, #tpu.memory_space<hbm>>
      tpu.wait_dma2 semaphore(%run_scoped3A : memref<!tpu.dma_semaphore, #tpu.memory_space<semaphore_mem>>) src(%arg9 : memref<40x512xf32, #tpu.memory_space<vmem>>) dst(%dma_wait3A_128 : memref<40x512xf32, #tpu.memory_space<hbm>>)
      tpu.yield
    }) : () -> ()
    %dma_start3A_109 = arith.constant 160 : i32
    %dma_start3A_110 = tpu.memref_slice %arg7[%dma_start3A_109] : memref<200xi32, #tpu.memory_space<vmem>> -> memref<40xi32, #tpu.memory_space<vmem>>
    %dma_start3A_111 = arith.constant 0 : i32
    %dma_start3A_112 = arith.constant 0 : i32
    %dma_start3A_113 = tpu.memref_slice %arg3[%dma_start3A_111, %dma_start3A_112] : memref<12288x512xf32, #tpu.memory_space<hbm>> -> memref<12288x512xf32, #tpu.memory_space<hbm>>
    tpu.enqueue_indirect_dma source(%dma_start3A_113 : memref<12288x512xf32, #tpu.memory_space<hbm>>) target(%arg9 : memref<40x512xf32, #tpu.memory_space<vmem>>) offsets(%dma_start3A_110 : memref<40xi32, #tpu.memory_space<vmem>>) semaphore(%arg10 : memref<!tpu.dma_semaphore, #tpu.memory_space<semaphore_mem>>)
    %dma_wait3A_114 = arith.constant 160 : i32
    %dma_wait3A_115 = tpu.memref_slice %arg7[%dma_wait3A_114] : memref<200xi32, #tpu.memory_space<vmem>> -> memref<40xi32, #tpu.memory_space<vmem>>
    %dma_wait3A_116 = arith.constant 0 : i32
    %dma_wait3A_117 = arith.constant 0 : i32
    %dma_wait3A_118 = tpu.memref_slice %arg3[%dma_wait3A_116, %dma_wait3A_117] : memref<12288x512xf32, #tpu.memory_space<hbm>> -> memref<12288x512xf32, #tpu.memory_space<hbm>>
    tpu.wait_indirect_dma semaphore(%arg10 : memref<!tpu.dma_semaphore, #tpu.memory_space<semaphore_mem>>) src(%dma_wait3A_118 : memref<12288x512xf32, #tpu.memory_space<hbm>>) dst(%arg9 : memref<40x512xf32, #tpu.memory_space<vmem>>)
    %add3A_119 = arith.constant 160 : i32
    %add3A_120 = arith.addi %mul3A_2, %add3A_119 : i32
    "tpu.region"() ({
      %run_scoped3A = tpu.sem_alloc : memref<!tpu.dma_semaphore, #tpu.memory_space<semaphore_mem>>
      %dma_start3A_121 = arith.constant 0 : i32
      %dma_start3A_122 = tpu.memref_slice %arg6[%add3A_120, %dma_start3A_121] : memref<6400x512xf32, #tpu.memory_space<hbm>> -> memref<40x512xf32, #tpu.memory_space<hbm>>
      %dma_start3A_123 = arith.constant 0 : i32
      %dma_start3A_124 = tpu.memref_slice %arg6[%add3A_120, %dma_start3A_123] : memref<6400x512xf32, #tpu.memory_space<hbm>> -> memref<40x512xf32, #tpu.memory_space<hbm>>
      tpu.enqueue_dma source(%arg9 : memref<40x512xf32, #tpu.memory_space<vmem>>) target(%dma_start3A_124 : memref<40x512xf32, #tpu.memory_space<hbm>>) target_semaphore(%run_scoped3A : memref<!tpu.dma_semaphore, #tpu.memory_space<semaphore_mem>>)
      %dma_wait3A_125 = arith.constant 0 : i32
      %dma_wait3A_126 = tpu.memref_slice %arg6[%add3A_120, %dma_wait3A_125] : memref<6400x512xf32, #tpu.memory_space<hbm>> -> memref<40x512xf32, #tpu.memory_space<hbm>>
      %dma_wait3A_127 = arith.constant 0 : i32
      %dma_wait3A_128 = tpu.memref_slice %arg6[%add3A_120, %dma_wait3A_127] : memref<6400x512xf32, #tpu.memory_space<hbm>> -> memref<40x512xf32, #tpu.memory_space<hbm>>
      tpu.wait_dma2 semaphore(%run_scoped3A : memref<!tpu.dma_semaphore, #tpu.memory_space<semaphore_mem>>) src(%arg9 : memref<40x512xf32, #tpu.memory_space<vmem>>) dst(%dma_wait3A_128 : memref<40x512xf32, #tpu.memory_space<hbm>>)
      tpu.yield
    }) : () -> ()
    return
  }
}

module attributes {stable_mosaic.version = 14 : i64} {
  func.func @_graph_body(%arg0: i32, %arg1: i32, %arg2: memref<1024x1xi32, #tpu.memory_space<vmem>>, %arg3: memref<1024x1xi32, #tpu.memory_space<vmem>>, %arg4: memref<1024x1xi32, #tpu.memory_space<vmem>>, %arg5: memref<1024x128xf32, #tpu.memory_space<vmem>>, %arg6: memref<1024x189xi32, #tpu.memory_space<vmem>>, %arg7: memref<1024x189xi32, #tpu.memory_space<vmem>>, %arg8: memref<128x128xf32, #tpu.memory_space<vmem>>, %arg9: memref<1x128xf32, #tpu.memory_space<vmem>>, %arg10: memref<128x128xf32, #tpu.memory_space<vmem>>, %arg11: memref<1x128xf32, #tpu.memory_space<vmem>>, %arg12: memref<128x189xf32, #tpu.memory_space<vmem>>, %arg13: memref<1024x128xf32, #tpu.memory_space<vmem>>, %arg14: memref<1024x512xf32, #tpu.memory_space<vmem>>, %arg15: memref<192x129xf32, #tpu.memory_space<vmem>>, %arg16: memref<192x129xf32, #tpu.memory_space<vmem>>, %arg17: memref<192x128xf32, #tpu.memory_space<vmem>>) attributes {dimension_semantics = [#tpu.dimension_semantics<arbitrary>, #tpu.dimension_semantics<arbitrary>], iteration_bounds = array<i64: 3, 12>, scalar_prefetch = 0 : i64, scratch_operands = 3 : i64, tpu.core_type = #tpu.core_type<tc>, window_params = [{transform_indices = @transform_0, window_bounds = array<i64: 1024, 1>}, {transform_indices = @transform_1, window_bounds = array<i64: 1024, 1>}, {transform_indices = @transform_2, window_bounds = array<i64: 1024, 1>}, {transform_indices = @transform_3, window_bounds = array<i64: 1024, 128>}, {transform_indices = @transform_4, window_bounds = array<i64: 1024, 189>}, {transform_indices = @transform_5, window_bounds = array<i64: 1024, 189>}, {pipeline_mode = #tpu.pipeline_mode<synchronous>, transform_indices = @transform_6, window_bounds = array<i64: 128, 128>}, {pipeline_mode = #tpu.pipeline_mode<synchronous>, transform_indices = @transform_7, window_bounds = array<i64: 1, 128>}, {pipeline_mode = #tpu.pipeline_mode<synchronous>, transform_indices = @transform_8, window_bounds = array<i64: 128, 128>}, {pipeline_mode = #tpu.pipeline_mode<synchronous>, transform_indices = @transform_9, window_bounds = array<i64: 1, 128>}, {pipeline_mode = #tpu.pipeline_mode<synchronous>, transform_indices = @transform_10, window_bounds = array<i64: 128, 189>}, {transform_indices = @transform_11, window_bounds = array<i64: 1024, 128>}, {transform_indices = @transform_12, window_bounds = array<i64: 1024, 512>}]} {
    %get3A = arith.constant 0 : index
    %get3A_0 = arith.constant 0 : index
    %get3A_1 = vector.load %arg2[%get3A, %get3A_0] : memref<1024x1xi32, #tpu.memory_space<vmem>>, vector<1024x1xi32>
    %get3A_2 = arith.constant 0 : index
    %get3A_3 = arith.constant 0 : index
    %get3A_4 = vector.load %arg3[%get3A_2, %get3A_3] : memref<1024x1xi32, #tpu.memory_space<vmem>>, vector<1024x1xi32>
    %get3A_5 = arith.constant 0 : index
    %get3A_6 = arith.constant 0 : index
    %get3A_7 = vector.load %arg4[%get3A_5, %get3A_6] : memref<1024x1xi32, #tpu.memory_space<vmem>>, vector<1024x1xi32>
    %iota3A = tpu.iota {dimensions = array<i32: 1>} : vector<1024x192xi32>
    %eq3A = vector.broadcast %get3A_1 : vector<1024x1xi32> to vector<1024x192xi32>
    %eq3A_8 = arith.cmpi eq, %eq3A, %iota3A : vector<1024x192xi32>
    %convert_element_type3A = arith.extui %eq3A_8 : vector<1024x192xi1> to vector<1024x192xi32>
    %convert_element_type3A_9 = arith.sitofp %convert_element_type3A : vector<1024x192xi32> to vector<1024x192xf32>
    %eq3A_10 = vector.broadcast %get3A_4 : vector<1024x1xi32> to vector<1024x192xi32>
    %eq3A_11 = arith.cmpi eq, %eq3A_10, %iota3A : vector<1024x192xi32>
    %convert_element_type3A_12 = arith.extui %eq3A_11 : vector<1024x192xi1> to vector<1024x192xi32>
    %convert_element_type3A_13 = arith.sitofp %convert_element_type3A_12 : vector<1024x192xi32> to vector<1024x192xf32>
    %add3A = arith.addf %convert_element_type3A_9, %convert_element_type3A_13 : vector<1024x192xf32>
    %eq3A_14 = vector.broadcast %get3A_7 : vector<1024x1xi32> to vector<1024x192xi32>
    %eq3A_15 = arith.cmpi eq, %eq3A_14, %iota3A : vector<1024x192xi32>
    %convert_element_type3A_16 = arith.extui %eq3A_15 : vector<1024x192xi1> to vector<1024x192xi32>
    %convert_element_type3A_17 = arith.sitofp %convert_element_type3A_16 : vector<1024x192xi32> to vector<1024x192xf32>
    %add3A_18 = arith.addf %add3A, %convert_element_type3A_17 : vector<1024x192xf32>
    %eq3A_19 = arith.constant 0 : i32
    %eq3A_20 = arith.cmpi eq, %arg0, %eq3A_19 : i32
    %convert_element_type3A_21 = arith.extui %eq3A_20 : i1 to i32
    %cond3A = arith.constant 0 : i32
    %cond3A_22 = arith.cmpi ne, %convert_element_type3A_21, %cond3A : i32
    scf.if %cond3A_22 {
      %get3A_33 = arith.constant 0 : index
      %get3A_34 = arith.constant 0 : index
      %get3A_35 = vector.load %arg5[%get3A_33, %get3A_34] : memref<1024x128xf32, #tpu.memory_space<vmem>>, vector<1024x128xf32>
      %get3A_36 = arith.constant 0 : index
      %get3A_37 = arith.constant 0 : index
      %get3A_38 = vector.load %arg8[%get3A_36, %get3A_37] : memref<128x128xf32, #tpu.memory_space<vmem>>, vector<128x128xf32>
      %dot_general3A = arith.constant dense<0.000000e+00> : vector<1024x128xf32>
      %dot_general3A_39 = tpu.matmul %get3A_35, %get3A_38, %dot_general3A {dimension_numbers = #tpu.dot_dimension_numbers<[1], [0], [0], [1], [0, 0, 1, 1], [], []>, transpose_lhs_hint = false} : vector<1024x128xf32>, vector<128x128xf32>, vector<1024x128xf32> -> vector<1024x128xf32>
      %get3A_40 = arith.constant 0 : index
      %get3A_41 = arith.constant 0 : index
      %get3A_42 = vector.load %arg9[%get3A_40, %get3A_41] : memref<1x128xf32, #tpu.memory_space<vmem>>, vector<1x128xf32>
      %add3A_43 = vector.broadcast %get3A_42 : vector<1x128xf32> to vector<1024x128xf32>
      %add3A_44 = arith.addf %dot_general3A_39, %add3A_43 : vector<1024x128xf32>
      %iota3A_45 = tpu.iota {dimensions = array<i32: 0>} : vector<1024x1xi32>
      %mul3A = arith.constant 1024 : i32
      %mul3A_46 = arith.muli %arg1, %mul3A : i32
      %add3A_47 = vector.broadcast %mul3A_46 : i32 to vector<1024x1xi32>
      %add3A_48 = arith.addi %iota3A_45, %add3A_47 : vector<1024x1xi32>
      %lt3A = arith.constant 11965 : i32
      %lt3A_49 = vector.broadcast %lt3A : i32 to vector<1024x1xi32>
      %lt3A_50 = arith.cmpi slt, %add3A_48, %lt3A_49 : vector<1024x1xi32>
      %jit3A = arith.constant 0.000000e+00 : f32
      %broadcast_in_dim3A = vector.shape_cast %lt3A_50 : vector<1024x1xi1> to vector<1024x1xi1>
      %broadcast_in_dim3A_51 = vector.broadcast %broadcast_in_dim3A : vector<1024x1xi1> to vector<1024x128xi1>
      %broadcast_in_dim3A_52 = vector.broadcast %jit3A : f32 to vector<1024x128xf32>
      %select_n3A = arith.select %broadcast_in_dim3A_51, %add3A_44, %broadcast_in_dim3A_52 : vector<1024x128xi1>, vector<1024x128xf32>
      %eq3A_53 = arith.constant 0 : i32
      %eq3A_54 = arith.cmpi eq, %arg1, %eq3A_53 : i32
      %broadcast_in_dim3A_55 = arith.constant 1.000000e+00 : f32
      %broadcast_in_dim3A_56 = vector.broadcast %broadcast_in_dim3A_55 : f32 to vector<1024x1xf32>
      %concatenate3A = tpu.concatenate %select_n3A, %broadcast_in_dim3A_56 in 1 : vector<1024x128xf32>, vector<1024x1xf32> -> vector<1024x129xf32>
      %dot_general3A_57 = arith.constant dense<0.000000e+00> : vector<192x129xf32>
      %dot_general3A_58 = tpu.matmul %add3A_18, %concatenate3A, %dot_general3A_57 {dimension_numbers = #tpu.dot_dimension_numbers<[0], [0], [1], [1], [0, 1, 1, 1], [], []>, transpose_lhs_hint = false} : vector<1024x192xf32>, vector<1024x129xf32>, vector<192x129xf32> -> vector<192x129xf32>
      %convert_element_type3A_59 = arith.extui %eq3A_54 : i1 to i32
      %cond3A_60 = arith.constant 0 : i32
      %cond3A_61 = arith.cmpi ne, %convert_element_type3A_59, %cond3A_60 : i32
      scf.if %cond3A_61 {
        %broadcast_in_dim3A_68 = arith.constant 0.000000e+00 : f32
        %broadcast_in_dim3A_69 = vector.broadcast %broadcast_in_dim3A_68 : f32 to vector<192x129xf32>
        %swap3A_70 = arith.constant 0 : index
        %swap3A_71 = arith.constant 0 : index
        %swap3A_72 = vector.load %arg15[%swap3A_70, %swap3A_71] : memref<192x129xf32, #tpu.memory_space<vmem>>, vector<192x129xf32>
        tpu.vector_store %arg15[%swap3A_70, %swap3A_71], %broadcast_in_dim3A_69 {strides = array<i32>} : memref<192x129xf32, #tpu.memory_space<vmem>>, vector<192x129xf32>,
      } else {
      }
      %get3A_62 = arith.constant 0 : index
      %get3A_63 = arith.constant 0 : index
      %get3A_64 = vector.load %arg15[%get3A_62, %get3A_63] : memref<192x129xf32, #tpu.memory_space<vmem>>, vector<192x129xf32>
      %add3A_65 = arith.addf %get3A_64, %dot_general3A_58 : vector<192x129xf32>
      %swap3A = arith.constant 0 : index
      %swap3A_66 = arith.constant 0 : index
      %swap3A_67 = vector.load %arg15[%swap3A, %swap3A_66] : memref<192x129xf32, #tpu.memory_space<vmem>>, vector<192x129xf32>
      tpu.vector_store %arg15[%swap3A, %swap3A_66], %add3A_65 {strides = array<i32>} : memref<192x129xf32, #tpu.memory_space<vmem>>, vector<192x129xf32>,
    } else {
    }
    %eq3A_23 = arith.constant 1 : i32
    %eq3A_24 = arith.cmpi eq, %arg0, %eq3A_23 : i32
    %convert_element_type3A_25 = arith.extui %eq3A_24 : i1 to i32
    %cond3A_26 = arith.constant 0 : i32
    %cond3A_27 = arith.cmpi ne, %convert_element_type3A_25, %cond3A_26 : i32
    scf.if %cond3A_27 {
      %eq3A_33 = arith.constant 0 : i32
      %eq3A_34 = arith.cmpi eq, %arg1, %eq3A_33 : i32
      %convert_element_type3A_35 = arith.extui %eq3A_34 : i1 to i32
      %cond3A_36 = arith.constant 0 : i32
      %cond3A_37 = arith.cmpi ne, %convert_element_type3A_35, %cond3A_36 : i32
      scf.if %cond3A_37 {
        %get3A_96 = arith.constant 0 : index
        %get3A_97 = arith.constant 0 : index
        %get3A_98 = vector.load %arg15[%get3A_96, %get3A_97] : memref<192x129xf32, #tpu.memory_space<vmem>>, vector<192x129xf32>
        %slice3A = vector.extract_strided_slice %get3A_98 {offsets = [0, 128], sizes = [192, 1], strides = [1, 1]} : vector<192x129xf32> to vector<192x1xf32>
        %jit3A_99 = arith.constant 1.000000e+00 : f32
        %max3A_100 = vector.broadcast %jit3A_99 : f32 to vector<192x1xf32>
        %max3A_101 = arith.maximumf %max3A_100, %slice3A : vector<192x1xf32>
        %slice3A_102 = vector.extract_strided_slice %get3A_98 {offsets = [0, 0], sizes = [192, 128], strides = [1, 1]} : vector<192x129xf32> to vector<192x128xf32>
        %div3A_103 = vector.broadcast %max3A_101 : vector<192x1xf32> to vector<192x128xf32>
        %div3A_104 = arith.divf %slice3A_102, %div3A_103 : vector<192x128xf32>
        %iota3A_105 = tpu.iota {dimensions = array<i32: 0>} : vector<192x128xi32>
        %lt3A_106 = arith.constant 188 : i32
        %lt3A_107 = vector.broadcast %lt3A_106 : i32 to vector<192x128xi32>
        %lt3A_108 = arith.cmpi slt, %iota3A_105, %lt3A_107 : vector<192x128xi32>
        %jit3A_109 = arith.constant 0.000000e+00 : f32
        %broadcast_in_dim3A_110 = vector.broadcast %jit3A_109 : f32 to vector<192x128xf32>
        %select_n3A = arith.select %lt3A_108, %div3A_104, %broadcast_in_dim3A_110 : vector<192x128xi1>, vector<192x128xf32>
        %swap3A_111 = arith.constant 0 : index
        %swap3A_112 = arith.constant 0 : index
        %swap3A_113 = vector.load %arg17[%swap3A_111, %swap3A_112] : memref<192x128xf32, #tpu.memory_space<vmem>>, vector<192x128xf32>
        tpu.vector_store %arg17[%swap3A_111, %swap3A_112], %select_n3A {strides = array<i32>} : memref<192x128xf32, #tpu.memory_space<vmem>>, vector<192x128xf32>,
      } else {
      }
      %get3A_38 = arith.constant 0 : index
      %get3A_39 = arith.constant 0 : index
      %get3A_40 = vector.load %arg17[%get3A_38, %get3A_39] : memref<192x128xf32, #tpu.memory_space<vmem>>, vector<192x128xf32>
      %get3A_41 = arith.constant 0 : index
      %get3A_42 = arith.constant 0 : index
      %get3A_43 = vector.load %arg2[%get3A_41, %get3A_42] : memref<1024x1xi32, #tpu.memory_space<vmem>>, vector<1024x1xi32>
      %get3A_44 = arith.constant 0 : index
      %get3A_45 = arith.constant 0 : index
      %get3A_46 = vector.load %arg3[%get3A_44, %get3A_45] : memref<1024x1xi32, #tpu.memory_space<vmem>>, vector<1024x1xi32>
      %get3A_47 = arith.constant 0 : index
      %get3A_48 = arith.constant 0 : index
      %get3A_49 = vector.load %arg4[%get3A_47, %get3A_48] : memref<1024x1xi32, #tpu.memory_space<vmem>>, vector<1024x1xi32>
      %lt3A = arith.constant 188 : i32
      %lt3A_50 = vector.broadcast %lt3A : i32 to vector<1024x1xi32>
      %lt3A_51 = arith.cmpi slt, %get3A_43, %lt3A_50 : vector<1024x1xi32>
      %convert_element_type3A_52 = arith.extui %lt3A_51 : vector<1024x1xi1> to vector<1024x1xi32>
      %convert_element_type3A_53 = arith.sitofp %convert_element_type3A_52 : vector<1024x1xi32> to vector<1024x1xf32>
      %lt3A_54 = arith.constant 188 : i32
      %lt3A_55 = vector.broadcast %lt3A_54 : i32 to vector<1024x1xi32>
      %lt3A_56 = arith.cmpi slt, %get3A_46, %lt3A_55 : vector<1024x1xi32>
      %convert_element_type3A_57 = arith.extui %lt3A_56 : vector<1024x1xi1> to vector<1024x1xi32>
      %convert_element_type3A_58 = arith.sitofp %convert_element_type3A_57 : vector<1024x1xi32> to vector<1024x1xf32>
      %add3A_59 = arith.addf %convert_element_type3A_53, %convert_element_type3A_58 : vector<1024x1xf32>
      %lt3A_60 = arith.constant 188 : i32
      %lt3A_61 = vector.broadcast %lt3A_60 : i32 to vector<1024x1xi32>
      %lt3A_62 = arith.cmpi slt, %get3A_49, %lt3A_61 : vector<1024x1xi32>
      %convert_element_type3A_63 = arith.extui %lt3A_62 : vector<1024x1xi1> to vector<1024x1xi32>
      %convert_element_type3A_64 = arith.sitofp %convert_element_type3A_63 : vector<1024x1xi32> to vector<1024x1xf32>
      %add3A_65 = arith.addf %add3A_59, %convert_element_type3A_64 : vector<1024x1xf32>
      %dot_general3A = arith.constant dense<0.000000e+00> : vector<1024x128xf32>
      %dot_general3A_66 = tpu.matmul %add3A_18, %get3A_40, %dot_general3A {dimension_numbers = #tpu.dot_dimension_numbers<[1], [0], [0], [1], [0, 0, 1, 1], [], []>, transpose_lhs_hint = false} : vector<1024x192xf32>, vector<192x128xf32>, vector<1024x128xf32> -> vector<1024x128xf32>
      %jit3A = arith.constant 1.000000e+00 : f32
      %max3A = vector.broadcast %jit3A : f32 to vector<1024x1xf32>
      %max3A_67 = arith.maximumf %max3A, %add3A_65 : vector<1024x1xf32>
      %div3A = vector.broadcast %max3A_67 : vector<1024x1xf32> to vector<1024x128xf32>
      %div3A_68 = arith.divf %dot_general3A_66, %div3A : vector<1024x128xf32>
      %max3A_69 = arith.constant 0.000000e+00 : f32
      %max3A_70 = vector.broadcast %max3A_69 : f32 to vector<1024x128xf32>
      %max3A_71 = arith.maximumf %div3A_68, %max3A_70 : vector<1024x128xf32>
      %get3A_72 = arith.constant 0 : index
      %get3A_73 = arith.constant 0 : index
      %get3A_74 = vector.load %arg10[%get3A_72, %get3A_73] : memref<128x128xf32, #tpu.memory_space<vmem>>, vector<128x128xf32>
      %dot_general3A_75 = arith.constant dense<0.000000e+00> : vector<1024x128xf32>
      %dot_general3A_76 = tpu.matmul %max3A_71, %get3A_74, %dot_general3A_75 {dimension_numbers = #tpu.dot_dimension_numbers<[1], [0], [0], [1], [0, 0, 1, 1], [], []>, transpose_lhs_hint = false} : vector<1024x128xf32>, vector<128x128xf32>, vector<1024x128xf32> -> vector<1024x128xf32>
      %get3A_77 = arith.constant 0 : index
      %get3A_78 = arith.constant 0 : index
      %get3A_79 = vector.load %arg11[%get3A_77, %get3A_78] : memref<1x128xf32, #tpu.memory_space<vmem>>, vector<1x128xf32>
      %add3A_80 = vector.broadcast %get3A_79 : vector<1x128xf32> to vector<1024x128xf32>
      %add3A_81 = arith.addf %dot_general3A_76, %add3A_80 : vector<1024x128xf32>
      %eq3A_82 = arith.constant 0 : i32
      %eq3A_83 = arith.cmpi eq, %arg1, %eq3A_82 : i32
      %broadcast_in_dim3A = arith.constant 1.000000e+00 : f32
      %broadcast_in_dim3A_84 = vector.broadcast %broadcast_in_dim3A : f32 to vector<1024x1xf32>
      %concatenate3A = tpu.concatenate %add3A_81, %broadcast_in_dim3A_84 in 1 : vector<1024x128xf32>, vector<1024x1xf32> -> vector<1024x129xf32>
      %dot_general3A_85 = arith.constant dense<0.000000e+00> : vector<192x129xf32>
      %dot_general3A_86 = tpu.matmul %add3A_18, %concatenate3A, %dot_general3A_85 {dimension_numbers = #tpu.dot_dimension_numbers<[0], [0], [1], [1], [0, 1, 1, 1], [], []>, transpose_lhs_hint = false} : vector<1024x192xf32>, vector<1024x129xf32>, vector<192x129xf32> -> vector<192x129xf32>
      %convert_element_type3A_87 = arith.extui %eq3A_83 : i1 to i32
      %cond3A_88 = arith.constant 0 : i32
      %cond3A_89 = arith.cmpi ne, %convert_element_type3A_87, %cond3A_88 : i32
      scf.if %cond3A_89 {
        %broadcast_in_dim3A_96 = arith.constant 0.000000e+00 : f32
        %broadcast_in_dim3A_97 = vector.broadcast %broadcast_in_dim3A_96 : f32 to vector<192x129xf32>
        %swap3A_98 = arith.constant 0 : index
        %swap3A_99 = arith.constant 0 : index
        %swap3A_100 = vector.load %arg16[%swap3A_98, %swap3A_99] : memref<192x129xf32, #tpu.memory_space<vmem>>, vector<192x129xf32>
        tpu.vector_store %arg16[%swap3A_98, %swap3A_99], %broadcast_in_dim3A_97 {strides = array<i32>} : memref<192x129xf32, #tpu.memory_space<vmem>>, vector<192x129xf32>,
      } else {
      }
      %get3A_90 = arith.constant 0 : index
      %get3A_91 = arith.constant 0 : index
      %get3A_92 = vector.load %arg16[%get3A_90, %get3A_91] : memref<192x129xf32, #tpu.memory_space<vmem>>, vector<192x129xf32>
      %add3A_93 = arith.addf %get3A_92, %dot_general3A_86 : vector<192x129xf32>
      %swap3A = arith.constant 0 : index
      %swap3A_94 = arith.constant 0 : index
      %swap3A_95 = vector.load %arg16[%swap3A, %swap3A_94] : memref<192x129xf32, #tpu.memory_space<vmem>>, vector<192x129xf32>
      tpu.vector_store %arg16[%swap3A, %swap3A_94], %add3A_93 {strides = array<i32>} : memref<192x129xf32, #tpu.memory_space<vmem>>, vector<192x129xf32>,
    } else {
    }
    %eq3A_28 = arith.constant 2 : i32
    %eq3A_29 = arith.cmpi eq, %arg0, %eq3A_28 : i32
    %convert_element_type3A_30 = arith.extui %eq3A_29 : i1 to i32
    %cond3A_31 = arith.constant 0 : i32
    %cond3A_32 = arith.cmpi ne, %convert_element_type3A_30, %cond3A_31 : i32
    scf.if %cond3A_32 {
      %eq3A_33 = arith.constant 0 : i32
      %eq3A_34 = arith.cmpi eq, %arg1, %eq3A_33 : i32
      %convert_element_type3A_35 = arith.extui %eq3A_34 : i1 to i32
      %cond3A_36 = arith.constant 0 : i32
      %cond3A_37 = arith.cmpi ne, %convert_element_type3A_35, %cond3A_36 : i32
      scf.if %cond3A_37 {
        %get3A_106 = arith.constant 0 : index
        %get3A_107 = arith.constant 0 : index
        %get3A_108 = vector.load %arg16[%get3A_106, %get3A_107] : memref<192x129xf32, #tpu.memory_space<vmem>>, vector<192x129xf32>
        %slice3A = vector.extract_strided_slice %get3A_108 {offsets = [0, 128], sizes = [192, 1], strides = [1, 1]} : vector<192x129xf32> to vector<192x1xf32>
        %jit3A_109 = arith.constant 1.000000e+00 : f32
        %max3A_110 = vector.broadcast %jit3A_109 : f32 to vector<192x1xf32>
        %max3A_111 = arith.maximumf %max3A_110, %slice3A : vector<192x1xf32>
        %slice3A_112 = vector.extract_strided_slice %get3A_108 {offsets = [0, 0], sizes = [192, 128], strides = [1, 1]} : vector<192x129xf32> to vector<192x128xf32>
        %div3A_113 = vector.broadcast %max3A_111 : vector<192x1xf32> to vector<192x128xf32>
        %div3A_114 = arith.divf %slice3A_112, %div3A_113 : vector<192x128xf32>
        %iota3A_115 = tpu.iota {dimensions = array<i32: 0>} : vector<192x128xi32>
        %lt3A_116 = arith.constant 188 : i32
        %lt3A_117 = vector.broadcast %lt3A_116 : i32 to vector<192x128xi32>
        %lt3A_118 = arith.cmpi slt, %iota3A_115, %lt3A_117 : vector<192x128xi32>
        %jit3A_119 = arith.constant 0.000000e+00 : f32
        %broadcast_in_dim3A_120 = vector.broadcast %jit3A_119 : f32 to vector<192x128xf32>
        %select_n3A_121 = arith.select %lt3A_118, %div3A_114, %broadcast_in_dim3A_120 : vector<192x128xi1>, vector<192x128xf32>
        %swap3A_122 = arith.constant 0 : index
        %swap3A_123 = arith.constant 0 : index
        %swap3A_124 = vector.load %arg17[%swap3A_122, %swap3A_123] : memref<192x128xf32, #tpu.memory_space<vmem>>, vector<192x128xf32>
        tpu.vector_store %arg17[%swap3A_122, %swap3A_123], %select_n3A_121 {strides = array<i32>} : memref<192x128xf32, #tpu.memory_space<vmem>>, vector<192x128xf32>,
      } else {
      }
      %get3A_38 = arith.constant 0 : index
      %get3A_39 = arith.constant 0 : index
      %get3A_40 = vector.load %arg17[%get3A_38, %get3A_39] : memref<192x128xf32, #tpu.memory_space<vmem>>, vector<192x128xf32>
      %get3A_41 = arith.constant 0 : index
      %get3A_42 = arith.constant 0 : index
      %get3A_43 = vector.load %arg2[%get3A_41, %get3A_42] : memref<1024x1xi32, #tpu.memory_space<vmem>>, vector<1024x1xi32>
      %get3A_44 = arith.constant 0 : index
      %get3A_45 = arith.constant 0 : index
      %get3A_46 = vector.load %arg3[%get3A_44, %get3A_45] : memref<1024x1xi32, #tpu.memory_space<vmem>>, vector<1024x1xi32>
      %get3A_47 = arith.constant 0 : index
      %get3A_48 = arith.constant 0 : index
      %get3A_49 = vector.load %arg4[%get3A_47, %get3A_48] : memref<1024x1xi32, #tpu.memory_space<vmem>>, vector<1024x1xi32>
      %lt3A = arith.constant 188 : i32
      %lt3A_50 = vector.broadcast %lt3A : i32 to vector<1024x1xi32>
      %lt3A_51 = arith.cmpi slt, %get3A_43, %lt3A_50 : vector<1024x1xi32>
      %convert_element_type3A_52 = arith.extui %lt3A_51 : vector<1024x1xi1> to vector<1024x1xi32>
      %convert_element_type3A_53 = arith.sitofp %convert_element_type3A_52 : vector<1024x1xi32> to vector<1024x1xf32>
      %lt3A_54 = arith.constant 188 : i32
      %lt3A_55 = vector.broadcast %lt3A_54 : i32 to vector<1024x1xi32>
      %lt3A_56 = arith.cmpi slt, %get3A_46, %lt3A_55 : vector<1024x1xi32>
      %convert_element_type3A_57 = arith.extui %lt3A_56 : vector<1024x1xi1> to vector<1024x1xi32>
      %convert_element_type3A_58 = arith.sitofp %convert_element_type3A_57 : vector<1024x1xi32> to vector<1024x1xf32>
      %add3A_59 = arith.addf %convert_element_type3A_53, %convert_element_type3A_58 : vector<1024x1xf32>
      %lt3A_60 = arith.constant 188 : i32
      %lt3A_61 = vector.broadcast %lt3A_60 : i32 to vector<1024x1xi32>
      %lt3A_62 = arith.cmpi slt, %get3A_49, %lt3A_61 : vector<1024x1xi32>
      %convert_element_type3A_63 = arith.extui %lt3A_62 : vector<1024x1xi1> to vector<1024x1xi32>
      %convert_element_type3A_64 = arith.sitofp %convert_element_type3A_63 : vector<1024x1xi32> to vector<1024x1xf32>
      %add3A_65 = arith.addf %add3A_59, %convert_element_type3A_64 : vector<1024x1xf32>
      %dot_general3A = arith.constant dense<0.000000e+00> : vector<1024x128xf32>
      %dot_general3A_66 = tpu.matmul %add3A_18, %get3A_40, %dot_general3A {dimension_numbers = #tpu.dot_dimension_numbers<[1], [0], [0], [1], [0, 0, 1, 1], [], []>, transpose_lhs_hint = false} : vector<1024x192xf32>, vector<192x128xf32>, vector<1024x128xf32> -> vector<1024x128xf32>
      %jit3A = arith.constant 1.000000e+00 : f32
      %max3A = vector.broadcast %jit3A : f32 to vector<1024x1xf32>
      %max3A_67 = arith.maximumf %max3A, %add3A_65 : vector<1024x1xf32>
      %div3A = vector.broadcast %max3A_67 : vector<1024x1xf32> to vector<1024x128xf32>
      %div3A_68 = arith.divf %dot_general3A_66, %div3A : vector<1024x128xf32>
      %get3A_69 = arith.constant 0 : index
      %get3A_70 = arith.constant 0 : index
      %get3A_71 = vector.load %arg5[%get3A_69, %get3A_70] : memref<1024x128xf32, #tpu.memory_space<vmem>>, vector<1024x128xf32>
      %add3A_72 = arith.addf %div3A_68, %get3A_71 : vector<1024x128xf32>
      %swap3A = arith.constant 0 : index
      %swap3A_73 = arith.constant 0 : index
      %swap3A_74 = vector.load %arg13[%swap3A, %swap3A_73] : memref<1024x128xf32, #tpu.memory_space<vmem>>, vector<1024x128xf32>
      tpu.vector_store %arg13[%swap3A, %swap3A_73], %add3A_72 {strides = array<i32>} : memref<1024x128xf32, #tpu.memory_space<vmem>>, vector<1024x128xf32>,
      %get3A_75 = arith.constant 0 : index
      %get3A_76 = arith.constant 0 : index
      %get3A_77 = vector.load %arg12[%get3A_75, %get3A_76] : memref<128x189xf32, #tpu.memory_space<vmem>>, vector<128x189xf32>
      %dot_general3A_78 = arith.constant dense<0.000000e+00> : vector<1024x189xf32>
      %dot_general3A_79 = tpu.matmul %add3A_72, %get3A_77, %dot_general3A_78 {dimension_numbers = #tpu.dot_dimension_numbers<[1], [0], [0], [1], [0, 0, 1, 1], [], []>, transpose_lhs_hint = false} : vector<1024x128xf32>, vector<128x189xf32>, vector<1024x189xf32> -> vector<1024x189xf32>
      %mul3A = arith.constant 1.562500e-02 : f32
      %mul3A_80 = vector.broadcast %mul3A : f32 to vector<1024x189xf32>
      %mul3A_81 = arith.mulf %dot_general3A_79, %mul3A_80 : vector<1024x189xf32>
      %get3A_82 = arith.constant 0 : index
      %get3A_83 = arith.constant 0 : index
      %get3A_84 = vector.load %arg6[%get3A_82, %get3A_83] : memref<1024x189xi32, #tpu.memory_space<vmem>>, vector<1024x189xi32>
      %gt3A = arith.constant 0 : i32
      %gt3A_85 = vector.broadcast %gt3A : i32 to vector<1024x189xi32>
      %gt3A_86 = arith.cmpi sgt, %get3A_84, %gt3A_85 : vector<1024x189xi32>
      %jit3A_87 = arith.constant -9.99999977E+22 : f32
      %broadcast_in_dim3A = vector.broadcast %jit3A_87 : f32 to vector<1024x189xf32>
      %select_n3A = arith.select %gt3A_86, %mul3A_81, %broadcast_in_dim3A : vector<1024x189xi1>, vector<1024x189xf32>
      %reduce_max3A = arith.constant dense<0xFF800000> : vector<1024xf32>
      %reduce_max3A_88 = vector.multi_reduction <maximumf>, %select_n3A, %reduce_max3A [1] : vector<1024x189xf32> to vector<1024xf32>
      %broadcast_in_dim3A_89 = vector.shape_cast %reduce_max3A_88 : vector<1024xf32> to vector<1024x1xf32>
      %sub3A = vector.broadcast %broadcast_in_dim3A_89 : vector<1024x1xf32> to vector<1024x189xf32>
      %sub3A_90 = arith.subf %select_n3A, %sub3A : vector<1024x189xf32>
      %exp3A = math.exp %sub3A_90 : vector<1024x189xf32>
      %reduce_sum3A = arith.constant dense<0.000000e+00> : vector<1024xf32>
      %reduce_sum3A_91 = vector.multi_reduction <add>, %exp3A, %reduce_sum3A [1] : vector<1024x189xf32> to vector<1024xf32>
      %broadcast_in_dim3A_92 = vector.shape_cast %reduce_sum3A_91 : vector<1024xf32> to vector<1024x1xf32>
      %div3A_93 = vector.broadcast %broadcast_in_dim3A_92 : vector<1024x1xf32> to vector<1024x189xf32>
      %div3A_94 = arith.divf %exp3A, %div3A_93 : vector<1024x189xf32>
      %broadcast_in_dim3A_95 = arith.constant 0.000000e+00 : f32
      %broadcast_in_dim3A_96 = vector.broadcast %broadcast_in_dim3A_95 : f32 to vector<1024x67xf32>
      %broadcast_in_dim3A_97 = arith.constant 0.000000e+00 : f32
      %broadcast_in_dim3A_98 = vector.broadcast %broadcast_in_dim3A_97 : f32 to vector<1024x67xf32>
      %get3A_99 = arith.constant 0 : index
      %get3A_100 = arith.constant 0 : index
      %get3A_101 = vector.load %arg7[%get3A_99, %get3A_100] : memref<1024x189xi32, #tpu.memory_space<vmem>>, vector<1024x189xi32>
      %convert_element_type3A_102 = arith.sitofp %get3A_101 : vector<1024x189xi32> to vector<1024x189xf32>
      %concatenate3A = tpu.concatenate %div3A_94, %broadcast_in_dim3A_96, %convert_element_type3A_102, %broadcast_in_dim3A_98 in 1 : vector<1024x189xf32>, vector<1024x67xf32>, vector<1024x189xf32>, vector<1024x67xf32> -> vector<1024x512xf32>
      %swap3A_103 = arith.constant 0 : index
      %swap3A_104 = arith.constant 0 : index
      %swap3A_105 = vector.load %arg14[%swap3A_103, %swap3A_104] : memref<1024x512xf32, #tpu.memory_space<vmem>>, vector<1024x512xf32>
      tpu.vector_store %arg14[%swap3A_103, %swap3A_104], %concatenate3A {strides = array<i32>} : memref<1024x512xf32, #tpu.memory_space<vmem>>, vector<1024x512xf32>,
    } else {
    }
    return
  }
  func.func @transform_0(%arg0: i32, %arg1: i32) -> (i32, i32) {
    %c0_i32 = arith.constant 0 : i32
    %c0_i32_0 = arith.constant 0 : i32
    return %arg1, %c0_i32 : i32, i32
  }
  func.func @transform_1(%arg0: i32, %arg1: i32) -> (i32, i32) {
    %c0_i32 = arith.constant 0 : i32
    %c0_i32_0 = arith.constant 0 : i32
    return %arg1, %c0_i32 : i32, i32
  }
  func.func @transform_2(%arg0: i32, %arg1: i32) -> (i32, i32) {
    %c0_i32 = arith.constant 0 : i32
    %c0_i32_0 = arith.constant 0 : i32
    return %arg1, %c0_i32 : i32, i32
  }
  func.func @transform_3(%arg0: i32, %arg1: i32) -> (i32, i32) {
    %eq3A = arith.constant 1 : i32
    %eq3A_0 = arith.cmpi eq, %arg0, %eq3A : i32
    %jit3A = arith.constant 0 : i32
    %select_n3A = arith.select %eq3A_0, %jit3A, %arg1 : i32
    %c0_i32 = arith.constant 0 : i32
    %c0_i32_1 = arith.constant 0 : i32
    return %select_n3A, %c0_i32 : i32, i32
  }
  func.func @transform_4(%arg0: i32, %arg1: i32) -> (i32, i32) {
    %eq3A = arith.constant 2 : i32
    %eq3A_0 = arith.cmpi eq, %arg0, %eq3A : i32
    %jit3A = arith.constant 0 : i32
    %select_n3A = arith.select %eq3A_0, %arg1, %jit3A : i32
    %c0_i32 = arith.constant 0 : i32
    %c0_i32_1 = arith.constant 0 : i32
    return %select_n3A, %c0_i32 : i32, i32
  }
  func.func @transform_5(%arg0: i32, %arg1: i32) -> (i32, i32) {
    %eq3A = arith.constant 2 : i32
    %eq3A_0 = arith.cmpi eq, %arg0, %eq3A : i32
    %jit3A = arith.constant 0 : i32
    %select_n3A = arith.select %eq3A_0, %arg1, %jit3A : i32
    %c0_i32 = arith.constant 0 : i32
    %c0_i32_1 = arith.constant 0 : i32
    return %select_n3A, %c0_i32 : i32, i32
  }
  func.func @transform_6(%arg0: i32, %arg1: i32) -> (i32, i32) {
    %c0_i32 = arith.constant 0 : i32
    %c0_i32_0 = arith.constant 0 : i32
    %c0_i32_1 = arith.constant 0 : i32
    return %c0_i32, %c0_i32_0 : i32, i32
  }
  func.func @transform_7(%arg0: i32, %arg1: i32) -> (i32, i32) {
    %c0_i32 = arith.constant 0 : i32
    %c0_i32_0 = arith.constant 0 : i32
    %c0_i32_1 = arith.constant 0 : i32
    return %c0_i32, %c0_i32_0 : i32, i32
  }
  func.func @transform_8(%arg0: i32, %arg1: i32) -> (i32, i32) {
    %c0_i32 = arith.constant 0 : i32
    %c0_i32_0 = arith.constant 0 : i32
    %c0_i32_1 = arith.constant 0 : i32
    return %c0_i32, %c0_i32_0 : i32, i32
  }
  func.func @transform_9(%arg0: i32, %arg1: i32) -> (i32, i32) {
    %c0_i32 = arith.constant 0 : i32
    %c0_i32_0 = arith.constant 0 : i32
    %c0_i32_1 = arith.constant 0 : i32
    return %c0_i32, %c0_i32_0 : i32, i32
  }
  func.func @transform_10(%arg0: i32, %arg1: i32) -> (i32, i32) {
    %c0_i32 = arith.constant 0 : i32
    %c0_i32_0 = arith.constant 0 : i32
    %c0_i32_1 = arith.constant 0 : i32
    return %c0_i32, %c0_i32_0 : i32, i32
  }
  func.func @transform_11(%arg0: i32, %arg1: i32) -> (i32, i32) {
    %c0_i32 = arith.constant 0 : i32
    %c0_i32_0 = arith.constant 0 : i32
    return %arg1, %c0_i32 : i32, i32
  }
  func.func @transform_12(%arg0: i32, %arg1: i32) -> (i32, i32) {
    %c0_i32 = arith.constant 0 : i32
    %c0_i32_0 = arith.constant 0 : i32
    return %arg1, %c0_i32 : i32, i32
  }
}

module attributes {stable_mosaic.version = 14 : i64} {
  func.func @_pre_body(%arg0: i32, %arg1: memref<640x1xi32, #tpu.memory_space<vmem>>, %arg2: memref<640x1xi32, #tpu.memory_space<vmem>>, %arg3: memref<640x1xi32, #tpu.memory_space<vmem>>, %arg4: memref<640x1xi32, #tpu.memory_space<vmem>>, %arg5: memref<640x1xi32, #tpu.memory_space<vmem>>, %arg6: memref<640x1xi32, #tpu.memory_space<vmem>>, %arg7: memref<640x1xi32, #tpu.memory_space<vmem>>, %arg8: memref<640x128xf32, #tpu.memory_space<vmem>>, %arg9: memref<640x512xf32, #tpu.memory_space<vmem>>, %arg10: memref<101x128xf32, #tpu.memory_space<vmem>>, %arg11: memref<101x128xf32, #tpu.memory_space<vmem>>, %arg12: memref<2x128xf32, #tpu.memory_space<vmem>>, %arg13: memref<8x128xf32, #tpu.memory_space<vmem>>, %arg14: memref<11x128xf32, #tpu.memory_space<vmem>>, %arg15: memref<11x128xf32, #tpu.memory_space<vmem>>, %arg16: memref<8x128xf32, #tpu.memory_space<vmem>>, %arg17: memref<189x128xf32, #tpu.memory_space<vmem>>, %arg18: memref<104x128xf32, #tpu.memory_space<vmem>>, %arg19: memref<128x128xf32, #tpu.memory_space<vmem>>, %arg20: memref<128x128xf32, #tpu.memory_space<vmem>>, %arg21: memref<128x128xf32, #tpu.memory_space<vmem>>, %arg22: memref<128x128xf32, #tpu.memory_space<vmem>>, %arg23: memref<128x128xf32, #tpu.memory_space<vmem>>, %arg24: memref<1x128xf32, #tpu.memory_space<vmem>>, %arg25: memref<128x128xf32, #tpu.memory_space<vmem>>, %arg26: memref<1x128xf32, #tpu.memory_space<vmem>>, %arg27: memref<128x128xf32, #tpu.memory_space<vmem>>, %arg28: memref<128x128xf32, #tpu.memory_space<vmem>>, %arg29: memref<128x128xf32, #tpu.memory_space<vmem>>, %arg30: memref<1x128xf32, #tpu.memory_space<vmem>>, %arg31: memref<128x128xf32, #tpu.memory_space<vmem>>, %arg32: memref<128x128xf32, #tpu.memory_space<vmem>>, %arg33: memref<128x128xf32, #tpu.memory_space<vmem>>, %arg34: memref<128x128xf32, #tpu.memory_space<vmem>>, %arg35: memref<128x128xf32, #tpu.memory_space<vmem>>, %arg36: memref<1x128xf32, #tpu.memory_space<vmem>>, %arg37: memref<128x128xf32, #tpu.memory_space<vmem>>, %arg38: memref<128x128xf32, #tpu.memory_space<vmem>>, %arg39: memref<128x128xf32, #tpu.memory_space<vmem>>, %arg40: memref<128x128xf32, #tpu.memory_space<vmem>>, %arg41: memref<128x128xf32, #tpu.memory_space<vmem>>, %arg42: memref<1x128xf32, #tpu.memory_space<vmem>>, %arg43: memref<128x1xf32, #tpu.memory_space<vmem>>, %arg44: memref<128x1xf32, #tpu.memory_space<vmem>>, %arg45: memref<128x1xf32, #tpu.memory_space<vmem>>, %arg46: memref<128x1xf32, #tpu.memory_space<vmem>>, %arg47: memref<1x1xf32, #tpu.memory_space<vmem>>, %arg48: memref<640x128xf32, #tpu.memory_space<vmem>>, %arg49: memref<640x128xf32, #tpu.memory_space<vmem>>, %arg50: memref<640x256xf32, #tpu.memory_space<vmem>>, %arg51: memref<640x1xf32, #tpu.memory_space<vmem>>) attributes {dimension_semantics = [#tpu.dimension_semantics<arbitrary>], iteration_bounds = array<i64: 10>, scalar_prefetch = 0 : i64, scratch_operands = 0 : i64, tpu.core_type = #tpu.core_type<tc>, window_params = [{transform_indices = @transform_0, window_bounds = array<i64: 640, 1>}, {transform_indices = @transform_1, window_bounds = array<i64: 640, 1>}, {transform_indices = @transform_2, window_bounds = array<i64: 640, 1>}, {transform_indices = @transform_3, window_bounds = array<i64: 640, 1>}, {transform_indices = @transform_4, window_bounds = array<i64: 640, 1>}, {transform_indices = @transform_5, window_bounds = array<i64: 640, 1>}, {transform_indices = @transform_6, window_bounds = array<i64: 640, 1>}, {transform_indices = @transform_7, window_bounds = array<i64: 640, 128>}, {transform_indices = @transform_8, window_bounds = array<i64: 640, 512>}, {pipeline_mode = #tpu.pipeline_mode<synchronous>, transform_indices = @transform_9, window_bounds = array<i64: 101, 128>}, {pipeline_mode = #tpu.pipeline_mode<synchronous>, transform_indices = @transform_10, window_bounds = array<i64: 101, 128>}, {pipeline_mode = #tpu.pipeline_mode<synchronous>, transform_indices = @transform_11, window_bounds = array<i64: 2, 128>}, {pipeline_mode = #tpu.pipeline_mode<synchronous>, transform_indices = @transform_12, window_bounds = array<i64: 8, 128>}, {pipeline_mode = #tpu.pipeline_mode<synchronous>, transform_indices = @transform_13, window_bounds = array<i64: 11, 128>}, {pipeline_mode = #tpu.pipeline_mode<synchronous>, transform_indices = @transform_14, window_bounds = array<i64: 11, 128>}, {pipeline_mode = #tpu.pipeline_mode<synchronous>, transform_indices = @transform_15, window_bounds = array<i64: 8, 128>}, {pipeline_mode = #tpu.pipeline_mode<synchronous>, transform_indices = @transform_16, window_bounds = array<i64: 189, 128>}, {pipeline_mode = #tpu.pipeline_mode<synchronous>, transform_indices = @transform_17, window_bounds = array<i64: 104, 128>}, {pipeline_mode = #tpu.pipeline_mode<synchronous>, transform_indices = @transform_18, window_bounds = array<i64: 128, 128>}, {pipeline_mode = #tpu.pipeline_mode<synchronous>, transform_indices = @transform_19, window_bounds = array<i64: 128, 128>}, {pipeline_mode = #tpu.pipeline_mode<synchronous>, transform_indices = @transform_20, window_bounds = array<i64: 128, 128>}, {pipeline_mode = #tpu.pipeline_mode<synchronous>, transform_indices = @transform_21, window_bounds = array<i64: 128, 128>}, {pipeline_mode = #tpu.pipeline_mode<synchronous>, transform_indices = @transform_22, window_bounds = array<i64: 128, 128>}, {pipeline_mode = #tpu.pipeline_mode<synchronous>, transform_indices = @transform_23, window_bounds = array<i64: 1, 128>}, {pipeline_mode = #tpu.pipeline_mode<synchronous>, transform_indices = @transform_24, window_bounds = array<i64: 128, 128>}, {pipeline_mode = #tpu.pipeline_mode<synchronous>, transform_indices = @transform_25, window_bounds = array<i64: 1, 128>}, {pipeline_mode = #tpu.pipeline_mode<synchronous>, transform_indices = @transform_26, window_bounds = array<i64: 128, 128>}, {pipeline_mode = #tpu.pipeline_mode<synchronous>, transform_indices = @transform_27, window_bounds = array<i64: 128, 128>}, {pipeline_mode = #tpu.pipeline_mode<synchronous>, transform_indices = @transform_28, window_bounds = array<i64: 128, 128>}, {pipeline_mode = #tpu.pipeline_mode<synchronous>, transform_indices = @transform_29, window_bounds = array<i64: 1, 128>}, {pipeline_mode = #tpu.pipeline_mode<synchronous>, transform_indices = @transform_30, window_bounds = array<i64: 128, 128>}, {pipeline_mode = #tpu.pipeline_mode<synchronous>, transform_indices = @transform_31, window_bounds = array<i64: 128, 128>}, {pipeline_mode = #tpu.pipeline_mode<synchronous>, transform_indices = @transform_32, window_bounds = array<i64: 128, 128>}, {pipeline_mode = #tpu.pipeline_mode<synchronous>, transform_indices = @transform_33, window_bounds = array<i64: 128, 128>}, {pipeline_mode = #tpu.pipeline_mode<synchronous>, transform_indices = @transform_34, window_bounds = array<i64: 128, 128>}, {pipeline_mode = #tpu.pipeline_mode<synchronous>, transform_indices = @transform_35, window_bounds = array<i64: 1, 128>}, {pipeline_mode = #tpu.pipeline_mode<synchronous>, transform_indices = @transform_36, window_bounds = array<i64: 128, 128>}, {pipeline_mode = #tpu.pipeline_mode<synchronous>, transform_indices = @transform_37, window_bounds = array<i64: 128, 128>}, {pipeline_mode = #tpu.pipeline_mode<synchronous>, transform_indices = @transform_38, window_bounds = array<i64: 128, 128>}, {pipeline_mode = #tpu.pipeline_mode<synchronous>, transform_indices = @transform_39, window_bounds = array<i64: 128, 128>}, {pipeline_mode = #tpu.pipeline_mode<synchronous>, transform_indices = @transform_40, window_bounds = array<i64: 128, 128>}, {pipeline_mode = #tpu.pipeline_mode<synchronous>, transform_indices = @transform_41, window_bounds = array<i64: 1, 128>}, {pipeline_mode = #tpu.pipeline_mode<synchronous>, transform_indices = @transform_42, window_bounds = array<i64: 128, 1>}, {pipeline_mode = #tpu.pipeline_mode<synchronous>, transform_indices = @transform_43, window_bounds = array<i64: 128, 1>}, {pipeline_mode = #tpu.pipeline_mode<synchronous>, transform_indices = @transform_44, window_bounds = array<i64: 128, 1>}, {pipeline_mode = #tpu.pipeline_mode<synchronous>, transform_indices = @transform_45, window_bounds = array<i64: 128, 1>}, {pipeline_mode = #tpu.pipeline_mode<synchronous>, transform_indices = @transform_46, window_bounds = array<i64: 1, 1>}, {transform_indices = @transform_47, window_bounds = array<i64: 640, 128>}, {transform_indices = @transform_48, window_bounds = array<i64: 640, 128>}, {transform_indices = @transform_49, window_bounds = array<i64: 640, 256>}, {transform_indices = @transform_50, window_bounds = array<i64: 640, 1>}]} {
    %get3A = arith.constant 0 : index
    %get3A_0 = arith.constant 0 : index
    %get3A_1 = vector.load %arg1[%get3A, %get3A_0] : memref<640x1xi32, #tpu.memory_space<vmem>>, vector<640x1xi32>
    %iota3A = tpu.iota {dimensions = array<i32: 1>} : vector<640x101xi32>
    %eq3A = vector.broadcast %get3A_1 : vector<640x1xi32> to vector<640x101xi32>
    %eq3A_2 = arith.cmpi eq, %eq3A, %iota3A : vector<640x101xi32>
    %convert_element_type3A = arith.extui %eq3A_2 : vector<640x101xi1> to vector<640x101xi32>
    %convert_element_type3A_3 = arith.sitofp %convert_element_type3A : vector<640x101xi32> to vector<640x101xf32>
    %get3A_4 = arith.constant 0 : index
    %get3A_5 = arith.constant 0 : index
    %get3A_6 = vector.load %arg2[%get3A_4, %get3A_5] : memref<640x1xi32, #tpu.memory_space<vmem>>, vector<640x1xi32>
    %iota3A_7 = tpu.iota {dimensions = array<i32: 1>} : vector<640x101xi32>
    %eq3A_8 = vector.broadcast %get3A_6 : vector<640x1xi32> to vector<640x101xi32>
    %eq3A_9 = arith.cmpi eq, %eq3A_8, %iota3A_7 : vector<640x101xi32>
    %convert_element_type3A_10 = arith.extui %eq3A_9 : vector<640x101xi1> to vector<640x101xi32>
    %convert_element_type3A_11 = arith.sitofp %convert_element_type3A_10 : vector<640x101xi32> to vector<640x101xf32>
    %get3A_12 = arith.constant 0 : index
    %get3A_13 = arith.constant 0 : index
    %get3A_14 = vector.load %arg3[%get3A_12, %get3A_13] : memref<640x1xi32, #tpu.memory_space<vmem>>, vector<640x1xi32>
    %iota3A_15 = tpu.iota {dimensions = array<i32: 1>} : vector<640x2xi32>
    %eq3A_16 = vector.broadcast %get3A_14 : vector<640x1xi32> to vector<640x2xi32>
    %eq3A_17 = arith.cmpi eq, %eq3A_16, %iota3A_15 : vector<640x2xi32>
    %convert_element_type3A_18 = arith.extui %eq3A_17 : vector<640x2xi1> to vector<640x2xi32>
    %convert_element_type3A_19 = arith.sitofp %convert_element_type3A_18 : vector<640x2xi32> to vector<640x2xf32>
    %get3A_20 = arith.constant 0 : index
    %get3A_21 = arith.constant 0 : index
    %get3A_22 = vector.load %arg4[%get3A_20, %get3A_21] : memref<640x1xi32, #tpu.memory_space<vmem>>, vector<640x1xi32>
    %iota3A_23 = tpu.iota {dimensions = array<i32: 1>} : vector<640x8xi32>
    %eq3A_24 = vector.broadcast %get3A_22 : vector<640x1xi32> to vector<640x8xi32>
    %eq3A_25 = arith.cmpi eq, %eq3A_24, %iota3A_23 : vector<640x8xi32>
    %convert_element_type3A_26 = arith.extui %eq3A_25 : vector<640x8xi1> to vector<640x8xi32>
    %convert_element_type3A_27 = arith.sitofp %convert_element_type3A_26 : vector<640x8xi32> to vector<640x8xf32>
    %get3A_28 = arith.constant 0 : index
    %get3A_29 = arith.constant 0 : index
    %get3A_30 = vector.load %arg5[%get3A_28, %get3A_29] : memref<640x1xi32, #tpu.memory_space<vmem>>, vector<640x1xi32>
    %iota3A_31 = tpu.iota {dimensions = array<i32: 1>} : vector<640x11xi32>
    %eq3A_32 = vector.broadcast %get3A_30 : vector<640x1xi32> to vector<640x11xi32>
    %eq3A_33 = arith.cmpi eq, %eq3A_32, %iota3A_31 : vector<640x11xi32>
    %convert_element_type3A_34 = arith.extui %eq3A_33 : vector<640x11xi1> to vector<640x11xi32>
    %convert_element_type3A_35 = arith.sitofp %convert_element_type3A_34 : vector<640x11xi32> to vector<640x11xf32>
    %get3A_36 = arith.constant 0 : index
    %get3A_37 = arith.constant 0 : index
    %get3A_38 = vector.load %arg6[%get3A_36, %get3A_37] : memref<640x1xi32, #tpu.memory_space<vmem>>, vector<640x1xi32>
    %iota3A_39 = tpu.iota {dimensions = array<i32: 1>} : vector<640x11xi32>
    %eq3A_40 = vector.broadcast %get3A_38 : vector<640x1xi32> to vector<640x11xi32>
    %eq3A_41 = arith.cmpi eq, %eq3A_40, %iota3A_39 : vector<640x11xi32>
    %convert_element_type3A_42 = arith.extui %eq3A_41 : vector<640x11xi1> to vector<640x11xi32>
    %convert_element_type3A_43 = arith.sitofp %convert_element_type3A_42 : vector<640x11xi32> to vector<640x11xf32>
    %get3A_44 = arith.constant 0 : index
    %get3A_45 = arith.constant 0 : index
    %get3A_46 = vector.load %arg7[%get3A_44, %get3A_45] : memref<640x1xi32, #tpu.memory_space<vmem>>, vector<640x1xi32>
    %iota3A_47 = tpu.iota {dimensions = array<i32: 1>} : vector<640x8xi32>
    %eq3A_48 = vector.broadcast %get3A_46 : vector<640x1xi32> to vector<640x8xi32>
    %eq3A_49 = arith.cmpi eq, %eq3A_48, %iota3A_47 : vector<640x8xi32>
    %convert_element_type3A_50 = arith.extui %eq3A_49 : vector<640x8xi1> to vector<640x8xi32>
    %convert_element_type3A_51 = arith.sitofp %convert_element_type3A_50 : vector<640x8xi32> to vector<640x8xf32>
    %get3A_52 = arith.constant 0 : index
    %get3A_53 = arith.constant 0 : index
    %get3A_54 = vector.load %arg9[%get3A_52, %get3A_53] : memref<640x512xf32, #tpu.memory_space<vmem>>, vector<640x512xf32>
    %slice3A = vector.extract_strided_slice %get3A_54 {offsets = [0, 0], sizes = [640, 189], strides = [1, 1]} : vector<640x512xf32> to vector<640x189xf32>
    %slice3A_55 = vector.extract_strided_slice %get3A_54 {offsets = [0, 256], sizes = [640, 189], strides = [1, 1]} : vector<640x512xf32> to vector<640x189xf32>
    %reshape3A = vector.shape_cast %slice3A_55 : vector<640x189xf32> to vector<640x1x189xf32>
    %reshape3A_56 = vector.shape_cast %slice3A : vector<640x189xf32> to vector<640x1x189xf32>
    %iota3A_57 = tpu.iota {dimensions = array<i32: 1>} : vector<1x8x1xi32>
    %add3A = arith.constant 0 : i32
    %add3A_58 = vector.broadcast %add3A : i32 to vector<1x8x1xi32>
    %add3A_59 = arith.addi %iota3A_57, %add3A_58 : vector<1x8x1xi32>
    %convert_element_type3A_60 = arith.sitofp %add3A_59 : vector<1x8x1xi32> to vector<1x8x1xf32>
    %eq3A_61 = vector.broadcast %reshape3A : vector<640x1x189xf32> to vector<640x8x189xf32>
    %eq3A_62 = vector.broadcast %convert_element_type3A_60 : vector<1x8x1xf32> to vector<640x8x189xf32>
    %eq3A_63 = arith.cmpf oeq, %eq3A_61, %eq3A_62 : vector<640x8x189xf32>
    %convert_element_type3A_64 = arith.extui %eq3A_63 : vector<640x8x189xi1> to vector<640x8x189xi32>
    %convert_element_type3A_65 = arith.sitofp %convert_element_type3A_64 : vector<640x8x189xi32> to vector<640x8x189xf32>
    %mul3A = vector.broadcast %reshape3A_56 : vector<640x1x189xf32> to vector<640x8x189xf32>
    %mul3A_66 = arith.mulf %convert_element_type3A_65, %mul3A : vector<640x8x189xf32>
    %reduce_sum3A = arith.constant dense<0.000000e+00> : vector<640x8xf32>
    %reduce_sum3A_67 = vector.multi_reduction <add>, %mul3A_66, %reduce_sum3A [2] : vector<640x8x189xf32> to vector<640x8xf32>
    %iota3A_68 = tpu.iota {dimensions = array<i32: 1>} : vector<1x8x1xi32>
    %add3A_69 = arith.constant 8 : i32
    %add3A_70 = vector.broadcast %add3A_69 : i32 to vector<1x8x1xi32>
    %add3A_71 = arith.addi %iota3A_68, %add3A_70 : vector<1x8x1xi32>
    %convert_element_type3A_72 = arith.sitofp %add3A_71 : vector<1x8x1xi32> to vector<1x8x1xf32>
    %eq3A_73 = vector.broadcast %reshape3A : vector<640x1x189xf32> to vector<640x8x189xf32>
    %eq3A_74 = vector.broadcast %convert_element_type3A_72 : vector<1x8x1xf32> to vector<640x8x189xf32>
    %eq3A_75 = arith.cmpf oeq, %eq3A_73, %eq3A_74 : vector<640x8x189xf32>
    %convert_element_type3A_76 = arith.extui %eq3A_75 : vector<640x8x189xi1> to vector<640x8x189xi32>
    %convert_element_type3A_77 = arith.sitofp %convert_element_type3A_76 : vector<640x8x189xi32> to vector<640x8x189xf32>
    %mul3A_78 = vector.broadcast %reshape3A_56 : vector<640x1x189xf32> to vector<640x8x189xf32>
    %mul3A_79 = arith.mulf %convert_element_type3A_77, %mul3A_78 : vector<640x8x189xf32>
    %reduce_sum3A_80 = arith.constant dense<0.000000e+00> : vector<640x8xf32>
    %reduce_sum3A_81 = vector.multi_reduction <add>, %mul3A_79, %reduce_sum3A_80 [2] : vector<640x8x189xf32> to vector<640x8xf32>
    %iota3A_82 = tpu.iota {dimensions = array<i32: 1>} : vector<1x8x1xi32>
    %add3A_83 = arith.constant 16 : i32
    %add3A_84 = vector.broadcast %add3A_83 : i32 to vector<1x8x1xi32>
    %add3A_85 = arith.addi %iota3A_82, %add3A_84 : vector<1x8x1xi32>
    %convert_element_type3A_86 = arith.sitofp %add3A_85 : vector<1x8x1xi32> to vector<1x8x1xf32>
    %eq3A_87 = vector.broadcast %reshape3A : vector<640x1x189xf32> to vector<640x8x189xf32>
    %eq3A_88 = vector.broadcast %convert_element_type3A_86 : vector<1x8x1xf32> to vector<640x8x189xf32>
    %eq3A_89 = arith.cmpf oeq, %eq3A_87, %eq3A_88 : vector<640x8x189xf32>
    %convert_element_type3A_90 = arith.extui %eq3A_89 : vector<640x8x189xi1> to vector<640x8x189xi32>
    %convert_element_type3A_91 = arith.sitofp %convert_element_type3A_90 : vector<640x8x189xi32> to vector<640x8x189xf32>
    %mul3A_92 = vector.broadcast %reshape3A_56 : vector<640x1x189xf32> to vector<640x8x189xf32>
    %mul3A_93 = arith.mulf %convert_element_type3A_91, %mul3A_92 : vector<640x8x189xf32>
    %reduce_sum3A_94 = arith.constant dense<0.000000e+00> : vector<640x8xf32>
    %reduce_sum3A_95 = vector.multi_reduction <add>, %mul3A_93, %reduce_sum3A_94 [2] : vector<640x8x189xf32> to vector<640x8xf32>
    %iota3A_96 = tpu.iota {dimensions = array<i32: 1>} : vector<1x8x1xi32>
    %add3A_97 = arith.constant 24 : i32
    %add3A_98 = vector.broadcast %add3A_97 : i32 to vector<1x8x1xi32>
    %add3A_99 = arith.addi %iota3A_96, %add3A_98 : vector<1x8x1xi32>
    %convert_element_type3A_100 = arith.sitofp %add3A_99 : vector<1x8x1xi32> to vector<1x8x1xf32>
    %eq3A_101 = vector.broadcast %reshape3A : vector<640x1x189xf32> to vector<640x8x189xf32>
    %eq3A_102 = vector.broadcast %convert_element_type3A_100 : vector<1x8x1xf32> to vector<640x8x189xf32>
    %eq3A_103 = arith.cmpf oeq, %eq3A_101, %eq3A_102 : vector<640x8x189xf32>
    %convert_element_type3A_104 = arith.extui %eq3A_103 : vector<640x8x189xi1> to vector<640x8x189xi32>
    %convert_element_type3A_105 = arith.sitofp %convert_element_type3A_104 : vector<640x8x189xi32> to vector<640x8x189xf32>
    %mul3A_106 = vector.broadcast %reshape3A_56 : vector<640x1x189xf32> to vector<640x8x189xf32>
    %mul3A_107 = arith.mulf %convert_element_type3A_105, %mul3A_106 : vector<640x8x189xf32>
    %reduce_sum3A_108 = arith.constant dense<0.000000e+00> : vector<640x8xf32>
    %reduce_sum3A_109 = vector.multi_reduction <add>, %mul3A_107, %reduce_sum3A_108 [2] : vector<640x8x189xf32> to vector<640x8xf32>
    %iota3A_110 = tpu.iota {dimensions = array<i32: 1>} : vector<1x8x1xi32>
    %add3A_111 = arith.constant 32 : i32
    %add3A_112 = vector.broadcast %add3A_111 : i32 to vector<1x8x1xi32>
    %add3A_113 = arith.addi %iota3A_110, %add3A_112 : vector<1x8x1xi32>
    %convert_element_type3A_114 = arith.sitofp %add3A_113 : vector<1x8x1xi32> to vector<1x8x1xf32>
    %eq3A_115 = vector.broadcast %reshape3A : vector<640x1x189xf32> to vector<640x8x189xf32>
    %eq3A_116 = vector.broadcast %convert_element_type3A_114 : vector<1x8x1xf32> to vector<640x8x189xf32>
    %eq3A_117 = arith.cmpf oeq, %eq3A_115, %eq3A_116 : vector<640x8x189xf32>
    %convert_element_type3A_118 = arith.extui %eq3A_117 : vector<640x8x189xi1> to vector<640x8x189xi32>
    %convert_element_type3A_119 = arith.sitofp %convert_element_type3A_118 : vector<640x8x189xi32> to vector<640x8x189xf32>
    %mul3A_120 = vector.broadcast %reshape3A_56 : vector<640x1x189xf32> to vector<640x8x189xf32>
    %mul3A_121 = arith.mulf %convert_element_type3A_119, %mul3A_120 : vector<640x8x189xf32>
    %reduce_sum3A_122 = arith.constant dense<0.000000e+00> : vector<640x8xf32>
    %reduce_sum3A_123 = vector.multi_reduction <add>, %mul3A_121, %reduce_sum3A_122 [2] : vector<640x8x189xf32> to vector<640x8xf32>
    %iota3A_124 = tpu.iota {dimensions = array<i32: 1>} : vector<1x8x1xi32>
    %add3A_125 = arith.constant 40 : i32
    %add3A_126 = vector.broadcast %add3A_125 : i32 to vector<1x8x1xi32>
    %add3A_127 = arith.addi %iota3A_124, %add3A_126 : vector<1x8x1xi32>
    %convert_element_type3A_128 = arith.sitofp %add3A_127 : vector<1x8x1xi32> to vector<1x8x1xf32>
    %eq3A_129 = vector.broadcast %reshape3A : vector<640x1x189xf32> to vector<640x8x189xf32>
    %eq3A_130 = vector.broadcast %convert_element_type3A_128 : vector<1x8x1xf32> to vector<640x8x189xf32>
    %eq3A_131 = arith.cmpf oeq, %eq3A_129, %eq3A_130 : vector<640x8x189xf32>
    %convert_element_type3A_132 = arith.extui %eq3A_131 : vector<640x8x189xi1> to vector<640x8x189xi32>
    %convert_element_type3A_133 = arith.sitofp %convert_element_type3A_132 : vector<640x8x189xi32> to vector<640x8x189xf32>
    %mul3A_134 = vector.broadcast %reshape3A_56 : vector<640x1x189xf32> to vector<640x8x189xf32>
    %mul3A_135 = arith.mulf %convert_element_type3A_133, %mul3A_134 : vector<640x8x189xf32>
    %reduce_sum3A_136 = arith.constant dense<0.000000e+00> : vector<640x8xf32>
    %reduce_sum3A_137 = vector.multi_reduction <add>, %mul3A_135, %reduce_sum3A_136 [2] : vector<640x8x189xf32> to vector<640x8xf32>
    %iota3A_138 = tpu.iota {dimensions = array<i32: 1>} : vector<1x8x1xi32>
    %add3A_139 = arith.constant 48 : i32
    %add3A_140 = vector.broadcast %add3A_139 : i32 to vector<1x8x1xi32>
    %add3A_141 = arith.addi %iota3A_138, %add3A_140 : vector<1x8x1xi32>
    %convert_element_type3A_142 = arith.sitofp %add3A_141 : vector<1x8x1xi32> to vector<1x8x1xf32>
    %eq3A_143 = vector.broadcast %reshape3A : vector<640x1x189xf32> to vector<640x8x189xf32>
    %eq3A_144 = vector.broadcast %convert_element_type3A_142 : vector<1x8x1xf32> to vector<640x8x189xf32>
    %eq3A_145 = arith.cmpf oeq, %eq3A_143, %eq3A_144 : vector<640x8x189xf32>
    %convert_element_type3A_146 = arith.extui %eq3A_145 : vector<640x8x189xi1> to vector<640x8x189xi32>
    %convert_element_type3A_147 = arith.sitofp %convert_element_type3A_146 : vector<640x8x189xi32> to vector<640x8x189xf32>
    %mul3A_148 = vector.broadcast %reshape3A_56 : vector<640x1x189xf32> to vector<640x8x189xf32>
    %mul3A_149 = arith.mulf %convert_element_type3A_147, %mul3A_148 : vector<640x8x189xf32>
    %reduce_sum3A_150 = arith.constant dense<0.000000e+00> : vector<640x8xf32>
    %reduce_sum3A_151 = vector.multi_reduction <add>, %mul3A_149, %reduce_sum3A_150 [2] : vector<640x8x189xf32> to vector<640x8xf32>
    %iota3A_152 = tpu.iota {dimensions = array<i32: 1>} : vector<1x8x1xi32>
    %add3A_153 = arith.constant 56 : i32
    %add3A_154 = vector.broadcast %add3A_153 : i32 to vector<1x8x1xi32>
    %add3A_155 = arith.addi %iota3A_152, %add3A_154 : vector<1x8x1xi32>
    %convert_element_type3A_156 = arith.sitofp %add3A_155 : vector<1x8x1xi32> to vector<1x8x1xf32>
    %eq3A_157 = vector.broadcast %reshape3A : vector<640x1x189xf32> to vector<640x8x189xf32>
    %eq3A_158 = vector.broadcast %convert_element_type3A_156 : vector<1x8x1xf32> to vector<640x8x189xf32>
    %eq3A_159 = arith.cmpf oeq, %eq3A_157, %eq3A_158 : vector<640x8x189xf32>
    %convert_element_type3A_160 = arith.extui %eq3A_159 : vector<640x8x189xi1> to vector<640x8x189xi32>
    %convert_element_type3A_161 = arith.sitofp %convert_element_type3A_160 : vector<640x8x189xi32> to vector<640x8x189xf32>
    %mul3A_162 = vector.broadcast %reshape3A_56 : vector<640x1x189xf32> to vector<640x8x189xf32>
    %mul3A_163 = arith.mulf %convert_element_type3A_161, %mul3A_162 : vector<640x8x189xf32>
    %reduce_sum3A_164 = arith.constant dense<0.000000e+00> : vector<640x8xf32>
    %reduce_sum3A_165 = vector.multi_reduction <add>, %mul3A_163, %reduce_sum3A_164 [2] : vector<640x8x189xf32> to vector<640x8xf32>
    %iota3A_166 = tpu.iota {dimensions = array<i32: 1>} : vector<1x8x1xi32>
    %add3A_167 = arith.constant 64 : i32
    %add3A_168 = vector.broadcast %add3A_167 : i32 to vector<1x8x1xi32>
    %add3A_169 = arith.addi %iota3A_166, %add3A_168 : vector<1x8x1xi32>
    %convert_element_type3A_170 = arith.sitofp %add3A_169 : vector<1x8x1xi32> to vector<1x8x1xf32>
    %eq3A_171 = vector.broadcast %reshape3A : vector<640x1x189xf32> to vector<640x8x189xf32>
    %eq3A_172 = vector.broadcast %convert_element_type3A_170 : vector<1x8x1xf32> to vector<640x8x189xf32>
    %eq3A_173 = arith.cmpf oeq, %eq3A_171, %eq3A_172 : vector<640x8x189xf32>
    %convert_element_type3A_174 = arith.extui %eq3A_173 : vector<640x8x189xi1> to vector<640x8x189xi32>
    %convert_element_type3A_175 = arith.sitofp %convert_element_type3A_174 : vector<640x8x189xi32> to vector<640x8x189xf32>
    %mul3A_176 = vector.broadcast %reshape3A_56 : vector<640x1x189xf32> to vector<640x8x189xf32>
    %mul3A_177 = arith.mulf %convert_element_type3A_175, %mul3A_176 : vector<640x8x189xf32>
    %reduce_sum3A_178 = arith.constant dense<0.000000e+00> : vector<640x8xf32>
    %reduce_sum3A_179 = vector.multi_reduction <add>, %mul3A_177, %reduce_sum3A_178 [2] : vector<640x8x189xf32> to vector<640x8xf32>
    %iota3A_180 = tpu.iota {dimensions = array<i32: 1>} : vector<1x8x1xi32>
    %add3A_181 = arith.constant 72 : i32
    %add3A_182 = vector.broadcast %add3A_181 : i32 to vector<1x8x1xi32>
    %add3A_183 = arith.addi %iota3A_180, %add3A_182 : vector<1x8x1xi32>
    %convert_element_type3A_184 = arith.sitofp %add3A_183 : vector<1x8x1xi32> to vector<1x8x1xf32>
    %eq3A_185 = vector.broadcast %reshape3A : vector<640x1x189xf32> to vector<640x8x189xf32>
    %eq3A_186 = vector.broadcast %convert_element_type3A_184 : vector<1x8x1xf32> to vector<640x8x189xf32>
    %eq3A_187 = arith.cmpf oeq, %eq3A_185, %eq3A_186 : vector<640x8x189xf32>
    %convert_element_type3A_188 = arith.extui %eq3A_187 : vector<640x8x189xi1> to vector<640x8x189xi32>
    %convert_element_type3A_189 = arith.sitofp %convert_element_type3A_188 : vector<640x8x189xi32> to vector<640x8x189xf32>
    %mul3A_190 = vector.broadcast %reshape3A_56 : vector<640x1x189xf32> to vector<640x8x189xf32>
    %mul3A_191 = arith.mulf %convert_element_type3A_189, %mul3A_190 : vector<640x8x189xf32>
    %reduce_sum3A_192 = arith.constant dense<0.000000e+00> : vector<640x8xf32>
    %reduce_sum3A_193 = vector.multi_reduction <add>, %mul3A_191, %reduce_sum3A_192 [2] : vector<640x8x189xf32> to vector<640x8xf32>
    %iota3A_194 = tpu.iota {dimensions = array<i32: 1>} : vector<1x8x1xi32>
    %add3A_195 = arith.constant 80 : i32
    %add3A_196 = vector.broadcast %add3A_195 : i32 to vector<1x8x1xi32>
    %add3A_197 = arith.addi %iota3A_194, %add3A_196 : vector<1x8x1xi32>
    %convert_element_type3A_198 = arith.sitofp %add3A_197 : vector<1x8x1xi32> to vector<1x8x1xf32>
    %eq3A_199 = vector.broadcast %reshape3A : vector<640x1x189xf32> to vector<640x8x189xf32>
    %eq3A_200 = vector.broadcast %convert_element_type3A_198 : vector<1x8x1xf32> to vector<640x8x189xf32>
    %eq3A_201 = arith.cmpf oeq, %eq3A_199, %eq3A_200 : vector<640x8x189xf32>
    %convert_element_type3A_202 = arith.extui %eq3A_201 : vector<640x8x189xi1> to vector<640x8x189xi32>
    %convert_element_type3A_203 = arith.sitofp %convert_element_type3A_202 : vector<640x8x189xi32> to vector<640x8x189xf32>
    %mul3A_204 = vector.broadcast %reshape3A_56 : vector<640x1x189xf32> to vector<640x8x189xf32>
    %mul3A_205 = arith.mulf %convert_element_type3A_203, %mul3A_204 : vector<640x8x189xf32>
    %reduce_sum3A_206 = arith.constant dense<0.000000e+00> : vector<640x8xf32>
    %reduce_sum3A_207 = vector.multi_reduction <add>, %mul3A_205, %reduce_sum3A_206 [2] : vector<640x8x189xf32> to vector<640x8xf32>
    %iota3A_208 = tpu.iota {dimensions = array<i32: 1>} : vector<1x8x1xi32>
    %add3A_209 = arith.constant 88 : i32
    %add3A_210 = vector.broadcast %add3A_209 : i32 to vector<1x8x1xi32>
    %add3A_211 = arith.addi %iota3A_208, %add3A_210 : vector<1x8x1xi32>
    %convert_element_type3A_212 = arith.sitofp %add3A_211 : vector<1x8x1xi32> to vector<1x8x1xf32>
    %eq3A_213 = vector.broadcast %reshape3A : vector<640x1x189xf32> to vector<640x8x189xf32>
    %eq3A_214 = vector.broadcast %convert_element_type3A_212 : vector<1x8x1xf32> to vector<640x8x189xf32>
    %eq3A_215 = arith.cmpf oeq, %eq3A_213, %eq3A_214 : vector<640x8x189xf32>
    %convert_element_type3A_216 = arith.extui %eq3A_215 : vector<640x8x189xi1> to vector<640x8x189xi32>
    %convert_element_type3A_217 = arith.sitofp %convert_element_type3A_216 : vector<640x8x189xi32> to vector<640x8x189xf32>
    %mul3A_218 = vector.broadcast %reshape3A_56 : vector<640x1x189xf32> to vector<640x8x189xf32>
    %mul3A_219 = arith.mulf %convert_element_type3A_217, %mul3A_218 : vector<640x8x189xf32>
    %reduce_sum3A_220 = arith.constant dense<0.000000e+00> : vector<640x8xf32>
    %reduce_sum3A_221 = vector.multi_reduction <add>, %mul3A_219, %reduce_sum3A_220 [2] : vector<640x8x189xf32> to vector<640x8xf32>
    %iota3A_222 = tpu.iota {dimensions = array<i32: 1>} : vector<1x8x1xi32>
    %add3A_223 = arith.constant 96 : i32
    %add3A_224 = vector.broadcast %add3A_223 : i32 to vector<1x8x1xi32>
    %add3A_225 = arith.addi %iota3A_222, %add3A_224 : vector<1x8x1xi32>
    %convert_element_type3A_226 = arith.sitofp %add3A_225 : vector<1x8x1xi32> to vector<1x8x1xf32>
    %eq3A_227 = vector.broadcast %reshape3A : vector<640x1x189xf32> to vector<640x8x189xf32>
    %eq3A_228 = vector.broadcast %convert_element_type3A_226 : vector<1x8x1xf32> to vector<640x8x189xf32>
    %eq3A_229 = arith.cmpf oeq, %eq3A_227, %eq3A_228 : vector<640x8x189xf32>
    %convert_element_type3A_230 = arith.extui %eq3A_229 : vector<640x8x189xi1> to vector<640x8x189xi32>
    %convert_element_type3A_231 = arith.sitofp %convert_element_type3A_230 : vector<640x8x189xi32> to vector<640x8x189xf32>
    %mul3A_232 = vector.broadcast %reshape3A_56 : vector<640x1x189xf32> to vector<640x8x189xf32>
    %mul3A_233 = arith.mulf %convert_element_type3A_231, %mul3A_232 : vector<640x8x189xf32>
    %reduce_sum3A_234 = arith.constant dense<0.000000e+00> : vector<640x8xf32>
    %reduce_sum3A_235 = vector.multi_reduction <add>, %mul3A_233, %reduce_sum3A_234 [2] : vector<640x8x189xf32> to vector<640x8xf32>
    %concatenate3A = tpu.concatenate %reduce_sum3A_67, %reduce_sum3A_81, %reduce_sum3A_95, %reduce_sum3A_109, %reduce_sum3A_123, %reduce_sum3A_137, %reduce_sum3A_151, %reduce_sum3A_165, %reduce_sum3A_179, %reduce_sum3A_193, %reduce_sum3A_207, %reduce_sum3A_221, %reduce_sum3A_235 in 1 : vector<640x8xf32>, vector<640x8xf32>, vector<640x8xf32>, vector<640x8xf32>, vector<640x8xf32>, vector<640x8xf32>, vector<640x8xf32>, vector<640x8xf32>, vector<640x8xf32>, vector<640x8xf32>, vector<640x8xf32>, vector<640x8xf32>, vector<640x8xf32> -> vector<640x104xf32>
    %get3A_236 = arith.constant 0 : index
    %get3A_237 = arith.constant 0 : index
    %get3A_238 = vector.load %arg8[%get3A_236, %get3A_237] : memref<640x128xf32, #tpu.memory_space<vmem>>, vector<640x128xf32>
    %get3A_239 = arith.constant 0 : index
    %get3A_240 = arith.constant 0 : index
    %get3A_241 = vector.load %arg19[%get3A_239, %get3A_240] : memref<128x128xf32, #tpu.memory_space<vmem>>, vector<128x128xf32>
    %dot_general3A = arith.constant dense<0.000000e+00> : vector<640x128xf32>
    %dot_general3A_242 = tpu.matmul %get3A_238, %get3A_241, %dot_general3A {dimension_numbers = #tpu.dot_dimension_numbers<[1], [0], [0], [1], [0, 0, 1, 1], [], []>, transpose_lhs_hint = false} : vector<640x128xf32>, vector<128x128xf32>, vector<640x128xf32> -> vector<640x128xf32>
    %get3A_243 = arith.constant 0 : index
    %get3A_244 = arith.constant 0 : index
    %get3A_245 = vector.load %arg10[%get3A_243, %get3A_244] : memref<101x128xf32, #tpu.memory_space<vmem>>, vector<101x128xf32>
    %get3A_246 = arith.constant 0 : index
    %get3A_247 = arith.constant 0 : index
    %get3A_248 = vector.load %arg20[%get3A_246, %get3A_247] : memref<128x128xf32, #tpu.memory_space<vmem>>, vector<128x128xf32>
    %dot_general3A_249 = arith.constant dense<0.000000e+00> : vector<101x128xf32>
    %dot_general3A_250 = tpu.matmul %get3A_245, %get3A_248, %dot_general3A_249 {dimension_numbers = #tpu.dot_dimension_numbers<[1], [0], [0], [1], [0, 0, 1, 1], [], []>, transpose_lhs_hint = false} : vector<101x128xf32>, vector<128x128xf32>, vector<101x128xf32> -> vector<101x128xf32>
    %dot_general3A_251 = arith.constant dense<0.000000e+00> : vector<640x128xf32>
    %dot_general3A_252 = tpu.matmul %convert_element_type3A_3, %dot_general3A_250, %dot_general3A_251 {dimension_numbers = #tpu.dot_dimension_numbers<[1], [0], [0], [1], [0, 0, 1, 1], [], []>, transpose_lhs_hint = false} : vector<640x101xf32>, vector<101x128xf32>, vector<640x128xf32> -> vector<640x128xf32>
    %add3A_253 = arith.addf %dot_general3A_242, %dot_general3A_252 : vector<640x128xf32>
    %get3A_254 = arith.constant 0 : index
    %get3A_255 = arith.constant 0 : index
    %get3A_256 = vector.load %arg11[%get3A_254, %get3A_255] : memref<101x128xf32, #tpu.memory_space<vmem>>, vector<101x128xf32>
    %get3A_257 = arith.constant 0 : index
    %get3A_258 = arith.constant 0 : index
    %get3A_259 = vector.load %arg21[%get3A_257, %get3A_258] : memref<128x128xf32, #tpu.memory_space<vmem>>, vector<128x128xf32>
    %dot_general3A_260 = arith.constant dense<0.000000e+00> : vector<101x128xf32>
    %dot_general3A_261 = tpu.matmul %get3A_256, %get3A_259, %dot_general3A_260 {dimension_numbers = #tpu.dot_dimension_numbers<[1], [0], [0], [1], [0, 0, 1, 1], [], []>, transpose_lhs_hint = false} : vector<101x128xf32>, vector<128x128xf32>, vector<101x128xf32> -> vector<101x128xf32>
    %dot_general3A_262 = arith.constant dense<0.000000e+00> : vector<640x128xf32>
    %dot_general3A_263 = tpu.matmul %convert_element_type3A_11, %dot_general3A_261, %dot_general3A_262 {dimension_numbers = #tpu.dot_dimension_numbers<[1], [0], [0], [1], [0, 0, 1, 1], [], []>, transpose_lhs_hint = false} : vector<640x101xf32>, vector<101x128xf32>, vector<640x128xf32> -> vector<640x128xf32>
    %add3A_264 = arith.addf %add3A_253, %dot_general3A_263 : vector<640x128xf32>
    %get3A_265 = arith.constant 0 : index
    %get3A_266 = arith.constant 0 : index
    %get3A_267 = vector.load %arg17[%get3A_265, %get3A_266] : memref<189x128xf32, #tpu.memory_space<vmem>>, vector<189x128xf32>
    %get3A_268 = arith.constant 0 : index
    %get3A_269 = arith.constant 0 : index
    %get3A_270 = vector.load %arg22[%get3A_268, %get3A_269] : memref<128x128xf32, #tpu.memory_space<vmem>>, vector<128x128xf32>
    %dot_general3A_271 = arith.constant dense<0.000000e+00> : vector<189x128xf32>
    %dot_general3A_272 = tpu.matmul %get3A_267, %get3A_270, %dot_general3A_271 {dimension_numbers = #tpu.dot_dimension_numbers<[1], [0], [0], [1], [0, 0, 1, 1], [], []>, transpose_lhs_hint = false} : vector<189x128xf32>, vector<128x128xf32>, vector<189x128xf32> -> vector<189x128xf32>
    %dot_general3A_273 = arith.constant dense<0.000000e+00> : vector<640x128xf32>
    %dot_general3A_274 = tpu.matmul %slice3A, %dot_general3A_272, %dot_general3A_273 {dimension_numbers = #tpu.dot_dimension_numbers<[1], [0], [0], [1], [0, 0, 1, 1], [], []>, transpose_lhs_hint = false} : vector<640x189xf32>, vector<189x128xf32>, vector<640x128xf32> -> vector<640x128xf32>
    %add3A_275 = arith.addf %add3A_264, %dot_general3A_274 : vector<640x128xf32>
    %get3A_276 = arith.constant 0 : index
    %get3A_277 = arith.constant 0 : index
    %get3A_278 = vector.load %arg18[%get3A_276, %get3A_277] : memref<104x128xf32, #tpu.memory_space<vmem>>, vector<104x128xf32>
    %get3A_279 = arith.constant 0 : index
    %get3A_280 = arith.constant 0 : index
    %get3A_281 = vector.load %arg23[%get3A_279, %get3A_280] : memref<128x128xf32, #tpu.memory_space<vmem>>, vector<128x128xf32>
    %dot_general3A_282 = arith.constant dense<0.000000e+00> : vector<104x128xf32>
    %dot_general3A_283 = tpu.matmul %get3A_278, %get3A_281, %dot_general3A_282 {dimension_numbers = #tpu.dot_dimension_numbers<[1], [0], [0], [1], [0, 0, 1, 1], [], []>, transpose_lhs_hint = false} : vector<104x128xf32>, vector<128x128xf32>, vector<104x128xf32> -> vector<104x128xf32>
    %dot_general3A_284 = arith.constant dense<0.000000e+00> : vector<640x128xf32>
    %dot_general3A_285 = tpu.matmul %concatenate3A, %dot_general3A_283, %dot_general3A_284 {dimension_numbers = #tpu.dot_dimension_numbers<[1], [0], [0], [1], [0, 0, 1, 1], [], []>, transpose_lhs_hint = false} : vector<640x104xf32>, vector<104x128xf32>, vector<640x128xf32> -> vector<640x128xf32>
    %add3A_286 = arith.addf %add3A_275, %dot_general3A_285 : vector<640x128xf32>
    %get3A_287 = arith.constant 0 : index
    %get3A_288 = arith.constant 0 : index
    %get3A_289 = vector.load %arg24[%get3A_287, %get3A_288] : memref<1x128xf32, #tpu.memory_space<vmem>>, vector<1x128xf32>
    %add3A_290 = vector.broadcast %get3A_289 : vector<1x128xf32> to vector<640x128xf32>
    %add3A_291 = arith.addf %add3A_286, %add3A_290 : vector<640x128xf32>
    %get3A_292 = arith.constant 0 : index
    %get3A_293 = arith.constant 0 : index
    %get3A_294 = vector.load %arg13[%get3A_292, %get3A_293] : memref<8x128xf32, #tpu.memory_space<vmem>>, vector<8x128xf32>
    %get3A_295 = arith.constant 0 : index
    %get3A_296 = arith.constant 0 : index
    %get3A_297 = vector.load %arg25[%get3A_295, %get3A_296] : memref<128x128xf32, #tpu.memory_space<vmem>>, vector<128x128xf32>
    %dot_general3A_298 = arith.constant dense<0.000000e+00> : vector<8x128xf32>
    %dot_general3A_299 = tpu.matmul %get3A_294, %get3A_297, %dot_general3A_298 {dimension_numbers = #tpu.dot_dimension_numbers<[1], [0], [0], [1], [0, 0, 1, 1], [], []>, transpose_lhs_hint = false} : vector<8x128xf32>, vector<128x128xf32>, vector<8x128xf32> -> vector<8x128xf32>
    %dot_general3A_300 = arith.constant dense<0.000000e+00> : vector<640x128xf32>
    %dot_general3A_301 = tpu.matmul %convert_element_type3A_27, %dot_general3A_299, %dot_general3A_300 {dimension_numbers = #tpu.dot_dimension_numbers<[1], [0], [0], [1], [0, 0, 1, 1], [], []>, transpose_lhs_hint = false} : vector<640x8xf32>, vector<8x128xf32>, vector<640x128xf32> -> vector<640x128xf32>
    %get3A_302 = arith.constant 0 : index
    %get3A_303 = arith.constant 0 : index
    %get3A_304 = vector.load %arg26[%get3A_302, %get3A_303] : memref<1x128xf32, #tpu.memory_space<vmem>>, vector<1x128xf32>
    %add3A_305 = vector.broadcast %get3A_304 : vector<1x128xf32> to vector<640x128xf32>
    %add3A_306 = arith.addf %dot_general3A_301, %add3A_305 : vector<640x128xf32>
    %swap3A = arith.constant 0 : index
    %swap3A_307 = arith.constant 0 : index
    %swap3A_308 = vector.load %arg48[%swap3A, %swap3A_307] : memref<640x128xf32, #tpu.memory_space<vmem>>, vector<640x128xf32>
    tpu.vector_store %arg48[%swap3A, %swap3A_307], %add3A_306 {strides = array<i32>} : memref<640x128xf32, #tpu.memory_space<vmem>>, vector<640x128xf32>,
    %get3A_309 = arith.constant 0 : index
    %get3A_310 = arith.constant 0 : index
    %get3A_311 = vector.load %arg27[%get3A_309, %get3A_310] : memref<128x128xf32, #tpu.memory_space<vmem>>, vector<128x128xf32>
    %dot_general3A_312 = arith.constant dense<0.000000e+00> : vector<640x128xf32>
    %dot_general3A_313 = tpu.matmul %add3A_291, %get3A_311, %dot_general3A_312 {dimension_numbers = #tpu.dot_dimension_numbers<[1], [0], [0], [1], [0, 0, 1, 1], [], []>, transpose_lhs_hint = false} : vector<640x128xf32>, vector<128x128xf32>, vector<640x128xf32> -> vector<640x128xf32>
    %get3A_314 = arith.constant 0 : index
    %get3A_315 = arith.constant 0 : index
    %get3A_316 = vector.load %arg14[%get3A_314, %get3A_315] : memref<11x128xf32, #tpu.memory_space<vmem>>, vector<11x128xf32>
    %get3A_317 = arith.constant 0 : index
    %get3A_318 = arith.constant 0 : index
    %get3A_319 = vector.load %arg28[%get3A_317, %get3A_318] : memref<128x128xf32, #tpu.memory_space<vmem>>, vector<128x128xf32>
    %dot_general3A_320 = arith.constant dense<0.000000e+00> : vector<11x128xf32>
    %dot_general3A_321 = tpu.matmul %get3A_316, %get3A_319, %dot_general3A_320 {dimension_numbers = #tpu.dot_dimension_numbers<[1], [0], [0], [1], [0, 0, 1, 1], [], []>, transpose_lhs_hint = false} : vector<11x128xf32>, vector<128x128xf32>, vector<11x128xf32> -> vector<11x128xf32>
    %dot_general3A_322 = arith.constant dense<0.000000e+00> : vector<640x128xf32>
    %dot_general3A_323 = tpu.matmul %convert_element_type3A_35, %dot_general3A_321, %dot_general3A_322 {dimension_numbers = #tpu.dot_dimension_numbers<[1], [0], [0], [1], [0, 0, 1, 1], [], []>, transpose_lhs_hint = false} : vector<640x11xf32>, vector<11x128xf32>, vector<640x128xf32> -> vector<640x128xf32>
    %add3A_324 = arith.addf %dot_general3A_313, %dot_general3A_323 : vector<640x128xf32>
    %get3A_325 = arith.constant 0 : index
    %get3A_326 = arith.constant 0 : index
    %get3A_327 = vector.load %arg15[%get3A_325, %get3A_326] : memref<11x128xf32, #tpu.memory_space<vmem>>, vector<11x128xf32>
    %get3A_328 = arith.constant 0 : index
    %get3A_329 = arith.constant 0 : index
    %get3A_330 = vector.load %arg29[%get3A_328, %get3A_329] : memref<128x128xf32, #tpu.memory_space<vmem>>, vector<128x128xf32>
    %dot_general3A_331 = arith.constant dense<0.000000e+00> : vector<11x128xf32>
    %dot_general3A_332 = tpu.matmul %get3A_327, %get3A_330, %dot_general3A_331 {dimension_numbers = #tpu.dot_dimension_numbers<[1], [0], [0], [1], [0, 0, 1, 1], [], []>, transpose_lhs_hint = false} : vector<11x128xf32>, vector<128x128xf32>, vector<11x128xf32> -> vector<11x128xf32>
    %dot_general3A_333 = arith.constant dense<0.000000e+00> : vector<640x128xf32>
    %dot_general3A_334 = tpu.matmul %convert_element_type3A_43, %dot_general3A_332, %dot_general3A_333 {dimension_numbers = #tpu.dot_dimension_numbers<[1], [0], [0], [1], [0, 0, 1, 1], [], []>, transpose_lhs_hint = false} : vector<640x11xf32>, vector<11x128xf32>, vector<640x128xf32> -> vector<640x128xf32>
    %add3A_335 = arith.addf %add3A_324, %dot_general3A_334 : vector<640x128xf32>
    %get3A_336 = arith.constant 0 : index
    %get3A_337 = arith.constant 0 : index
    %get3A_338 = vector.load %arg30[%get3A_336, %get3A_337] : memref<1x128xf32, #tpu.memory_space<vmem>>, vector<1x128xf32>
    %add3A_339 = vector.broadcast %get3A_338 : vector<1x128xf32> to vector<640x128xf32>
    %add3A_340 = arith.addf %add3A_335, %add3A_339 : vector<640x128xf32>
    %swap3A_341 = arith.constant 0 : index
    %swap3A_342 = arith.constant 0 : index
    %swap3A_343 = vector.load %arg49[%swap3A_341, %swap3A_342] : memref<640x128xf32, #tpu.memory_space<vmem>>, vector<640x128xf32>
    tpu.vector_store %arg49[%swap3A_341, %swap3A_342], %add3A_340 {strides = array<i32>} : memref<640x128xf32, #tpu.memory_space<vmem>>, vector<640x128xf32>,
    %get3A_344 = arith.constant 0 : index
    %get3A_345 = arith.constant 0 : index
    %get3A_346 = vector.load %arg31[%get3A_344, %get3A_345] : memref<128x128xf32, #tpu.memory_space<vmem>>, vector<128x128xf32>
    %dot_general3A_347 = arith.constant dense<0.000000e+00> : vector<640x128xf32>
    %dot_general3A_348 = tpu.matmul %add3A_291, %get3A_346, %dot_general3A_347 {dimension_numbers = #tpu.dot_dimension_numbers<[1], [0], [0], [1], [0, 0, 1, 1], [], []>, transpose_lhs_hint = false} : vector<640x128xf32>, vector<128x128xf32>, vector<640x128xf32> -> vector<640x128xf32>
    %get3A_349 = arith.constant 0 : index
    %get3A_350 = arith.constant 0 : index
    %get3A_351 = vector.load %arg12[%get3A_349, %get3A_350] : memref<2x128xf32, #tpu.memory_space<vmem>>, vector<2x128xf32>
    %get3A_352 = arith.constant 0 : index
    %get3A_353 = arith.constant 0 : index
    %get3A_354 = vector.load %arg32[%get3A_352, %get3A_353] : memref<128x128xf32, #tpu.memory_space<vmem>>, vector<128x128xf32>
    %dot_general3A_355 = arith.constant dense<0.000000e+00> : vector<2x128xf32>
    %dot_general3A_356 = tpu.matmul %get3A_351, %get3A_354, %dot_general3A_355 {dimension_numbers = #tpu.dot_dimension_numbers<[1], [0], [0], [1], [0, 0, 1, 1], [], []>, transpose_lhs_hint = false} : vector<2x128xf32>, vector<128x128xf32>, vector<2x128xf32> -> vector<2x128xf32>
    %dot_general3A_357 = arith.constant dense<0.000000e+00> : vector<640x128xf32>
    %dot_general3A_358 = tpu.matmul %convert_element_type3A_19, %dot_general3A_356, %dot_general3A_357 {dimension_numbers = #tpu.dot_dimension_numbers<[1], [0], [0], [1], [0, 0, 1, 1], [], []>, transpose_lhs_hint = false} : vector<640x2xf32>, vector<2x128xf32>, vector<640x128xf32> -> vector<640x128xf32>
    %add3A_359 = arith.addf %dot_general3A_348, %dot_general3A_358 : vector<640x128xf32>
    %get3A_360 = arith.constant 0 : index
    %get3A_361 = arith.constant 0 : index
    %get3A_362 = vector.load %arg14[%get3A_360, %get3A_361] : memref<11x128xf32, #tpu.memory_space<vmem>>, vector<11x128xf32>
    %get3A_363 = arith.constant 0 : index
    %get3A_364 = arith.constant 0 : index
    %get3A_365 = vector.load %arg33[%get3A_363, %get3A_364] : memref<128x128xf32, #tpu.memory_space<vmem>>, vector<128x128xf32>
    %dot_general3A_366 = arith.constant dense<0.000000e+00> : vector<11x128xf32>
    %dot_general3A_367 = tpu.matmul %get3A_362, %get3A_365, %dot_general3A_366 {dimension_numbers = #tpu.dot_dimension_numbers<[1], [0], [0], [1], [0, 0, 1, 1], [], []>, transpose_lhs_hint = false} : vector<11x128xf32>, vector<128x128xf32>, vector<11x128xf32> -> vector<11x128xf32>
    %dot_general3A_368 = arith.constant dense<0.000000e+00> : vector<640x128xf32>
    %dot_general3A_369 = tpu.matmul %convert_element_type3A_35, %dot_general3A_367, %dot_general3A_368 {dimension_numbers = #tpu.dot_dimension_numbers<[1], [0], [0], [1], [0, 0, 1, 1], [], []>, transpose_lhs_hint = false} : vector<640x11xf32>, vector<11x128xf32>, vector<640x128xf32> -> vector<640x128xf32>
    %add3A_370 = arith.addf %add3A_359, %dot_general3A_369 : vector<640x128xf32>
    %get3A_371 = arith.constant 0 : index
    %get3A_372 = arith.constant 0 : index
    %get3A_373 = vector.load %arg15[%get3A_371, %get3A_372] : memref<11x128xf32, #tpu.memory_space<vmem>>, vector<11x128xf32>
    %get3A_374 = arith.constant 0 : index
    %get3A_375 = arith.constant 0 : index
    %get3A_376 = vector.load %arg34[%get3A_374, %get3A_375] : memref<128x128xf32, #tpu.memory_space<vmem>>, vector<128x128xf32>
    %dot_general3A_377 = arith.constant dense<0.000000e+00> : vector<11x128xf32>
    %dot_general3A_378 = tpu.matmul %get3A_373, %get3A_376, %dot_general3A_377 {dimension_numbers = #tpu.dot_dimension_numbers<[1], [0], [0], [1], [0, 0, 1, 1], [], []>, transpose_lhs_hint = false} : vector<11x128xf32>, vector<128x128xf32>, vector<11x128xf32> -> vector<11x128xf32>
    %dot_general3A_379 = arith.constant dense<0.000000e+00> : vector<640x128xf32>
    %dot_general3A_380 = tpu.matmul %convert_element_type3A_43, %dot_general3A_378, %dot_general3A_379 {dimension_numbers = #tpu.dot_dimension_numbers<[1], [0], [0], [1], [0, 0, 1, 1], [], []>, transpose_lhs_hint = false} : vector<640x11xf32>, vector<11x128xf32>, vector<640x128xf32> -> vector<640x128xf32>
    %add3A_381 = arith.addf %add3A_370, %dot_general3A_380 : vector<640x128xf32>
    %get3A_382 = arith.constant 0 : index
    %get3A_383 = arith.constant 0 : index
    %get3A_384 = vector.load %arg16[%get3A_382, %get3A_383] : memref<8x128xf32, #tpu.memory_space<vmem>>, vector<8x128xf32>
    %get3A_385 = arith.constant 0 : index
    %get3A_386 = arith.constant 0 : index
    %get3A_387 = vector.load %arg35[%get3A_385, %get3A_386] : memref<128x128xf32, #tpu.memory_space<vmem>>, vector<128x128xf32>
    %dot_general3A_388 = arith.constant dense<0.000000e+00> : vector<8x128xf32>
    %dot_general3A_389 = tpu.matmul %get3A_384, %get3A_387, %dot_general3A_388 {dimension_numbers = #tpu.dot_dimension_numbers<[1], [0], [0], [1], [0, 0, 1, 1], [], []>, transpose_lhs_hint = false} : vector<8x128xf32>, vector<128x128xf32>, vector<8x128xf32> -> vector<8x128xf32>
    %dot_general3A_390 = arith.constant dense<0.000000e+00> : vector<640x128xf32>
    %dot_general3A_391 = tpu.matmul %convert_element_type3A_51, %dot_general3A_389, %dot_general3A_390 {dimension_numbers = #tpu.dot_dimension_numbers<[1], [0], [0], [1], [0, 0, 1, 1], [], []>, transpose_lhs_hint = false} : vector<640x8xf32>, vector<8x128xf32>, vector<640x128xf32> -> vector<640x128xf32>
    %add3A_392 = arith.addf %add3A_381, %dot_general3A_391 : vector<640x128xf32>
    %get3A_393 = arith.constant 0 : index
    %get3A_394 = arith.constant 0 : index
    %get3A_395 = vector.load %arg36[%get3A_393, %get3A_394] : memref<1x128xf32, #tpu.memory_space<vmem>>, vector<1x128xf32>
    %add3A_396 = vector.broadcast %get3A_395 : vector<1x128xf32> to vector<640x128xf32>
    %add3A_397 = arith.addf %add3A_392, %add3A_396 : vector<640x128xf32>
    %get3A_398 = arith.constant 0 : index
    %get3A_399 = arith.constant 0 : index
    %get3A_400 = vector.load %arg37[%get3A_398, %get3A_399] : memref<128x128xf32, #tpu.memory_space<vmem>>, vector<128x128xf32>
    %dot_general3A_401 = arith.constant dense<0.000000e+00> : vector<640x128xf32>
    %dot_general3A_402 = tpu.matmul %add3A_291, %get3A_400, %dot_general3A_401 {dimension_numbers = #tpu.dot_dimension_numbers<[1], [0], [0], [1], [0, 0, 1, 1], [], []>, transpose_lhs_hint = false} : vector<640x128xf32>, vector<128x128xf32>, vector<640x128xf32> -> vector<640x128xf32>
    %get3A_403 = arith.constant 0 : index
    %get3A_404 = arith.constant 0 : index
    %get3A_405 = vector.load %arg12[%get3A_403, %get3A_404] : memref<2x128xf32, #tpu.memory_space<vmem>>, vector<2x128xf32>
    %get3A_406 = arith.constant 0 : index
    %get3A_407 = arith.constant 0 : index
    %get3A_408 = vector.load %arg38[%get3A_406, %get3A_407] : memref<128x128xf32, #tpu.memory_space<vmem>>, vector<128x128xf32>
    %dot_general3A_409 = arith.constant dense<0.000000e+00> : vector<2x128xf32>
    %dot_general3A_410 = tpu.matmul %get3A_405, %get3A_408, %dot_general3A_409 {dimension_numbers = #tpu.dot_dimension_numbers<[1], [0], [0], [1], [0, 0, 1, 1], [], []>, transpose_lhs_hint = false} : vector<2x128xf32>, vector<128x128xf32>, vector<2x128xf32> -> vector<2x128xf32>
    %dot_general3A_411 = arith.constant dense<0.000000e+00> : vector<640x128xf32>
    %dot_general3A_412 = tpu.matmul %convert_element_type3A_19, %dot_general3A_410, %dot_general3A_411 {dimension_numbers = #tpu.dot_dimension_numbers<[1], [0], [0], [1], [0, 0, 1, 1], [], []>, transpose_lhs_hint = false} : vector<640x2xf32>, vector<2x128xf32>, vector<640x128xf32> -> vector<640x128xf32>
    %add3A_413 = arith.addf %dot_general3A_402, %dot_general3A_412 : vector<640x128xf32>
    %get3A_414 = arith.constant 0 : index
    %get3A_415 = arith.constant 0 : index
    %get3A_416 = vector.load %arg14[%get3A_414, %get3A_415] : memref<11x128xf32, #tpu.memory_space<vmem>>, vector<11x128xf32>
    %get3A_417 = arith.constant 0 : index
    %get3A_418 = arith.constant 0 : index
    %get3A_419 = vector.load %arg39[%get3A_417, %get3A_418] : memref<128x128xf32, #tpu.memory_space<vmem>>, vector<128x128xf32>
    %dot_general3A_420 = arith.constant dense<0.000000e+00> : vector<11x128xf32>
    %dot_general3A_421 = tpu.matmul %get3A_416, %get3A_419, %dot_general3A_420 {dimension_numbers = #tpu.dot_dimension_numbers<[1], [0], [0], [1], [0, 0, 1, 1], [], []>, transpose_lhs_hint = false} : vector<11x128xf32>, vector<128x128xf32>, vector<11x128xf32> -> vector<11x128xf32>
    %dot_general3A_422 = arith.constant dense<0.000000e+00> : vector<640x128xf32>
    %dot_general3A_423 = tpu.matmul %convert_element_type3A_35, %dot_general3A_421, %dot_general3A_422 {dimension_numbers = #tpu.dot_dimension_numbers<[1], [0], [0], [1], [0, 0, 1, 1], [], []>, transpose_lhs_hint = false} : vector<640x11xf32>, vector<11x128xf32>, vector<640x128xf32> -> vector<640x128xf32>
    %add3A_424 = arith.addf %add3A_413, %dot_general3A_423 : vector<640x128xf32>
    %get3A_425 = arith.constant 0 : index
    %get3A_426 = arith.constant 0 : index
    %get3A_427 = vector.load %arg15[%get3A_425, %get3A_426] : memref<11x128xf32, #tpu.memory_space<vmem>>, vector<11x128xf32>
    %get3A_428 = arith.constant 0 : index
    %get3A_429 = arith.constant 0 : index
    %get3A_430 = vector.load %arg40[%get3A_428, %get3A_429] : memref<128x128xf32, #tpu.memory_space<vmem>>, vector<128x128xf32>
    %dot_general3A_431 = arith.constant dense<0.000000e+00> : vector<11x128xf32>
    %dot_general3A_432 = tpu.matmul %get3A_427, %get3A_430, %dot_general3A_431 {dimension_numbers = #tpu.dot_dimension_numbers<[1], [0], [0], [1], [0, 0, 1, 1], [], []>, transpose_lhs_hint = false} : vector<11x128xf32>, vector<128x128xf32>, vector<11x128xf32> -> vector<11x128xf32>
    %dot_general3A_433 = arith.constant dense<0.000000e+00> : vector<640x128xf32>
    %dot_general3A_434 = tpu.matmul %convert_element_type3A_43, %dot_general3A_432, %dot_general3A_433 {dimension_numbers = #tpu.dot_dimension_numbers<[1], [0], [0], [1], [0, 0, 1, 1], [], []>, transpose_lhs_hint = false} : vector<640x11xf32>, vector<11x128xf32>, vector<640x128xf32> -> vector<640x128xf32>
    %add3A_435 = arith.addf %add3A_424, %dot_general3A_434 : vector<640x128xf32>
    %get3A_436 = arith.constant 0 : index
    %get3A_437 = arith.constant 0 : index
    %get3A_438 = vector.load %arg16[%get3A_436, %get3A_437] : memref<8x128xf32, #tpu.memory_space<vmem>>, vector<8x128xf32>
    %get3A_439 = arith.constant 0 : index
    %get3A_440 = arith.constant 0 : index
    %get3A_441 = vector.load %arg41[%get3A_439, %get3A_440] : memref<128x128xf32, #tpu.memory_space<vmem>>, vector<128x128xf32>
    %dot_general3A_442 = arith.constant dense<0.000000e+00> : vector<8x128xf32>
    %dot_general3A_443 = tpu.matmul %get3A_438, %get3A_441, %dot_general3A_442 {dimension_numbers = #tpu.dot_dimension_numbers<[1], [0], [0], [1], [0, 0, 1, 1], [], []>, transpose_lhs_hint = false} : vector<8x128xf32>, vector<128x128xf32>, vector<8x128xf32> -> vector<8x128xf32>
    %dot_general3A_444 = arith.constant dense<0.000000e+00> : vector<640x128xf32>
    %dot_general3A_445 = tpu.matmul %convert_element_type3A_51, %dot_general3A_443, %dot_general3A_444 {dimension_numbers = #tpu.dot_dimension_numbers<[1], [0], [0], [1], [0, 0, 1, 1], [], []>, transpose_lhs_hint = false} : vector<640x8xf32>, vector<8x128xf32>, vector<640x128xf32> -> vector<640x128xf32>
    %add3A_446 = arith.addf %add3A_435, %dot_general3A_445 : vector<640x128xf32>
    %get3A_447 = arith.constant 0 : index
    %get3A_448 = arith.constant 0 : index
    %get3A_449 = vector.load %arg42[%get3A_447, %get3A_448] : memref<1x128xf32, #tpu.memory_space<vmem>>, vector<1x128xf32>
    %add3A_450 = vector.broadcast %get3A_449 : vector<1x128xf32> to vector<640x128xf32>
    %add3A_451 = arith.addf %add3A_446, %add3A_450 : vector<640x128xf32>
    %concatenate3A_452 = tpu.concatenate %add3A_397, %add3A_451 in 1 : vector<640x128xf32>, vector<640x128xf32> -> vector<640x256xf32>
    %swap3A_453 = arith.constant 0 : index
    %swap3A_454 = arith.constant 0 : index
    %swap3A_455 = vector.load %arg50[%swap3A_453, %swap3A_454] : memref<640x256xf32, #tpu.memory_space<vmem>>, vector<640x256xf32>
    tpu.vector_store %arg50[%swap3A_453, %swap3A_454], %concatenate3A_452 {strides = array<i32>} : memref<640x256xf32, #tpu.memory_space<vmem>>, vector<640x256xf32>,
    %get3A_456 = arith.constant 0 : index
    %get3A_457 = arith.constant 0 : index
    %get3A_458 = vector.load %arg14[%get3A_456, %get3A_457] : memref<11x128xf32, #tpu.memory_space<vmem>>, vector<11x128xf32>
    %get3A_459 = arith.constant 0 : index
    %get3A_460 = arith.constant 0 : index
    %get3A_461 = vector.load %arg43[%get3A_459, %get3A_460] : memref<128x1xf32, #tpu.memory_space<vmem>>, vector<128x1xf32>
    %dot_general3A_462 = arith.constant dense<0.000000e+00> : vector<11x1xf32>
    %dot_general3A_463 = tpu.matmul %get3A_458, %get3A_461, %dot_general3A_462 {dimension_numbers = #tpu.dot_dimension_numbers<[1], [0], [0], [1], [0, 0, 1, 1], [], []>, transpose_lhs_hint = false} : vector<11x128xf32>, vector<128x1xf32>, vector<11x1xf32> -> vector<11x1xf32>
    %dot_general3A_464 = arith.constant dense<0.000000e+00> : vector<640x1xf32>
    %dot_general3A_465 = tpu.matmul %convert_element_type3A_35, %dot_general3A_463, %dot_general3A_464 {dimension_numbers = #tpu.dot_dimension_numbers<[1], [0], [0], [1], [0, 0, 1, 1], [], []>, transpose_lhs_hint = false} : vector<640x11xf32>, vector<11x1xf32>, vector<640x1xf32> -> vector<640x1xf32>
    %get3A_466 = arith.constant 0 : index
    %get3A_467 = arith.constant 0 : index
    %get3A_468 = vector.load %arg15[%get3A_466, %get3A_467] : memref<11x128xf32, #tpu.memory_space<vmem>>, vector<11x128xf32>
    %get3A_469 = arith.constant 0 : index
    %get3A_470 = arith.constant 0 : index
    %get3A_471 = vector.load %arg44[%get3A_469, %get3A_470] : memref<128x1xf32, #tpu.memory_space<vmem>>, vector<128x1xf32>
    %dot_general3A_472 = arith.constant dense<0.000000e+00> : vector<11x1xf32>
    %dot_general3A_473 = tpu.matmul %get3A_468, %get3A_471, %dot_general3A_472 {dimension_numbers = #tpu.dot_dimension_numbers<[1], [0], [0], [1], [0, 0, 1, 1], [], []>, transpose_lhs_hint = false} : vector<11x128xf32>, vector<128x1xf32>, vector<11x1xf32> -> vector<11x1xf32>
    %dot_general3A_474 = arith.constant dense<0.000000e+00> : vector<640x1xf32>
    %dot_general3A_475 = tpu.matmul %convert_element_type3A_43, %dot_general3A_473, %dot_general3A_474 {dimension_numbers = #tpu.dot_dimension_numbers<[1], [0], [0], [1], [0, 0, 1, 1], [], []>, transpose_lhs_hint = false} : vector<640x11xf32>, vector<11x1xf32>, vector<640x1xf32> -> vector<640x1xf32>
    %add3A_476 = arith.addf %dot_general3A_465, %dot_general3A_475 : vector<640x1xf32>
    %get3A_477 = arith.constant 0 : index
    %get3A_478 = arith.constant 0 : index
    %get3A_479 = vector.load %arg16[%get3A_477, %get3A_478] : memref<8x128xf32, #tpu.memory_space<vmem>>, vector<8x128xf32>
    %get3A_480 = arith.constant 0 : index
    %get3A_481 = arith.constant 0 : index
    %get3A_482 = vector.load %arg45[%get3A_480, %get3A_481] : memref<128x1xf32, #tpu.memory_space<vmem>>, vector<128x1xf32>
    %dot_general3A_483 = arith.constant dense<0.000000e+00> : vector<8x1xf32>
    %dot_general3A_484 = tpu.matmul %get3A_479, %get3A_482, %dot_general3A_483 {dimension_numbers = #tpu.dot_dimension_numbers<[1], [0], [0], [1], [0, 0, 1, 1], [], []>, transpose_lhs_hint = false} : vector<8x128xf32>, vector<128x1xf32>, vector<8x1xf32> -> vector<8x1xf32>
    %dot_general3A_485 = arith.constant dense<0.000000e+00> : vector<640x1xf32>
    %dot_general3A_486 = tpu.matmul %convert_element_type3A_51, %dot_general3A_484, %dot_general3A_485 {dimension_numbers = #tpu.dot_dimension_numbers<[1], [0], [0], [1], [0, 0, 1, 1], [], []>, transpose_lhs_hint = false} : vector<640x8xf32>, vector<8x1xf32>, vector<640x1xf32> -> vector<640x1xf32>
    %add3A_487 = arith.addf %add3A_476, %dot_general3A_486 : vector<640x1xf32>
    %get3A_488 = arith.constant 0 : index
    %get3A_489 = arith.constant 0 : index
    %get3A_490 = vector.load %arg13[%get3A_488, %get3A_489] : memref<8x128xf32, #tpu.memory_space<vmem>>, vector<8x128xf32>
    %get3A_491 = arith.constant 0 : index
    %get3A_492 = arith.constant 0 : index
    %get3A_493 = vector.load %arg46[%get3A_491, %get3A_492] : memref<128x1xf32, #tpu.memory_space<vmem>>, vector<128x1xf32>
    %dot_general3A_494 = arith.constant dense<0.000000e+00> : vector<8x1xf32>
    %dot_general3A_495 = tpu.matmul %get3A_490, %get3A_493, %dot_general3A_494 {dimension_numbers = #tpu.dot_dimension_numbers<[1], [0], [0], [1], [0, 0, 1, 1], [], []>, transpose_lhs_hint = false} : vector<8x128xf32>, vector<128x1xf32>, vector<8x1xf32> -> vector<8x1xf32>
    %dot_general3A_496 = arith.constant dense<0.000000e+00> : vector<640x1xf32>
    %dot_general3A_497 = tpu.matmul %convert_element_type3A_27, %dot_general3A_495, %dot_general3A_496 {dimension_numbers = #tpu.dot_dimension_numbers<[1], [0], [0], [1], [0, 0, 1, 1], [], []>, transpose_lhs_hint = false} : vector<640x8xf32>, vector<8x1xf32>, vector<640x1xf32> -> vector<640x1xf32>
    %add3A_498 = arith.addf %add3A_487, %dot_general3A_497 : vector<640x1xf32>
    %get3A_499 = arith.constant 0 : index
    %get3A_500 = arith.constant 0 : index
    %get3A_501 = vector.load %arg47[%get3A_499, %get3A_500] : memref<1x1xf32, #tpu.memory_space<vmem>>, vector<1x1xf32>
    %add3A_502 = vector.broadcast %get3A_501 : vector<1x1xf32> to vector<640x1xf32>
    %add3A_503 = arith.addf %add3A_498, %add3A_502 : vector<640x1xf32>
    %logistic3A = arith.negf %add3A_503 : vector<640x1xf32>
    %logistic3A_504 = math.exp %logistic3A : vector<640x1xf32>
    %logistic3A_505 = arith.constant 1.000000e+00 : f32
    %logistic3A_506 = vector.broadcast %logistic3A_505 : f32 to vector<640x1xf32>
    %logistic3A_507 = arith.addf %logistic3A_506, %logistic3A_504 : vector<640x1xf32>
    %logistic3A_508 = arith.divf %logistic3A_506, %logistic3A_507 : vector<640x1xf32>
    %swap3A_509 = arith.constant 0 : index
    %swap3A_510 = arith.constant 0 : index
    %swap3A_511 = vector.load %arg51[%swap3A_509, %swap3A_510] : memref<640x1xf32, #tpu.memory_space<vmem>>, vector<640x1xf32>
    tpu.vector_store %arg51[%swap3A_509, %swap3A_510], %logistic3A_508 {strides = array<i32>} : memref<640x1xf32, #tpu.memory_space<vmem>>, vector<640x1xf32>,
    return
  }
  func.func @transform_0(%arg0: i32) -> (i32, i32) {
    %c0_i32 = arith.constant 0 : i32
    %c0_i32_0 = arith.constant 0 : i32
    return %arg0, %c0_i32 : i32, i32
  }
  func.func @transform_1(%arg0: i32) -> (i32, i32) {
    %c0_i32 = arith.constant 0 : i32
    %c0_i32_0 = arith.constant 0 : i32
    return %arg0, %c0_i32 : i32, i32
  }
  func.func @transform_2(%arg0: i32) -> (i32, i32) {
    %c0_i32 = arith.constant 0 : i32
    %c0_i32_0 = arith.constant 0 : i32
    return %arg0, %c0_i32 : i32, i32
  }
  func.func @transform_3(%arg0: i32) -> (i32, i32) {
    %c0_i32 = arith.constant 0 : i32
    %c0_i32_0 = arith.constant 0 : i32
    return %arg0, %c0_i32 : i32, i32
  }
  func.func @transform_4(%arg0: i32) -> (i32, i32) {
    %c0_i32 = arith.constant 0 : i32
    %c0_i32_0 = arith.constant 0 : i32
    return %arg0, %c0_i32 : i32, i32
  }
  func.func @transform_5(%arg0: i32) -> (i32, i32) {
    %c0_i32 = arith.constant 0 : i32
    %c0_i32_0 = arith.constant 0 : i32
    return %arg0, %c0_i32 : i32, i32
  }
  func.func @transform_6(%arg0: i32) -> (i32, i32) {
    %c0_i32 = arith.constant 0 : i32
    %c0_i32_0 = arith.constant 0 : i32
    return %arg0, %c0_i32 : i32, i32
  }
  func.func @transform_7(%arg0: i32) -> (i32, i32) {
    %c0_i32 = arith.constant 0 : i32
    %c0_i32_0 = arith.constant 0 : i32
    return %arg0, %c0_i32 : i32, i32
  }
  func.func @transform_8(%arg0: i32) -> (i32, i32) {
    %c0_i32 = arith.constant 0 : i32
    %c0_i32_0 = arith.constant 0 : i32
    return %arg0, %c0_i32 : i32, i32
  }
  func.func @transform_9(%arg0: i32) -> (i32, i32) {
    %c0_i32 = arith.constant 0 : i32
    %c0_i32_0 = arith.constant 0 : i32
    %c0_i32_1 = arith.constant 0 : i32
    return %c0_i32, %c0_i32_0 : i32, i32
  }
  func.func @transform_10(%arg0: i32) -> (i32, i32) {
    %c0_i32 = arith.constant 0 : i32
    %c0_i32_0 = arith.constant 0 : i32
    %c0_i32_1 = arith.constant 0 : i32
    return %c0_i32, %c0_i32_0 : i32, i32
  }
  func.func @transform_11(%arg0: i32) -> (i32, i32) {
    %c0_i32 = arith.constant 0 : i32
    %c0_i32_0 = arith.constant 0 : i32
    %c0_i32_1 = arith.constant 0 : i32
    return %c0_i32, %c0_i32_0 : i32, i32
  }
  func.func @transform_12(%arg0: i32) -> (i32, i32) {
    %c0_i32 = arith.constant 0 : i32
    %c0_i32_0 = arith.constant 0 : i32
    %c0_i32_1 = arith.constant 0 : i32
    return %c0_i32, %c0_i32_0 : i32, i32
  }
  func.func @transform_13(%arg0: i32) -> (i32, i32) {
    %c0_i32 = arith.constant 0 : i32
    %c0_i32_0 = arith.constant 0 : i32
    %c0_i32_1 = arith.constant 0 : i32
    return %c0_i32, %c0_i32_0 : i32, i32
  }
  func.func @transform_14(%arg0: i32) -> (i32, i32) {
    %c0_i32 = arith.constant 0 : i32
    %c0_i32_0 = arith.constant 0 : i32
    %c0_i32_1 = arith.constant 0 : i32
    return %c0_i32, %c0_i32_0 : i32, i32
  }
  func.func @transform_15(%arg0: i32) -> (i32, i32) {
    %c0_i32 = arith.constant 0 : i32
    %c0_i32_0 = arith.constant 0 : i32
    %c0_i32_1 = arith.constant 0 : i32
    return %c0_i32, %c0_i32_0 : i32, i32
  }
  func.func @transform_16(%arg0: i32) -> (i32, i32) {
    %c0_i32 = arith.constant 0 : i32
    %c0_i32_0 = arith.constant 0 : i32
    %c0_i32_1 = arith.constant 0 : i32
    return %c0_i32, %c0_i32_0 : i32, i32
  }
  func.func @transform_17(%arg0: i32) -> (i32, i32) {
    %c0_i32 = arith.constant 0 : i32
    %c0_i32_0 = arith.constant 0 : i32
    %c0_i32_1 = arith.constant 0 : i32
    return %c0_i32, %c0_i32_0 : i32, i32
  }
  func.func @transform_18(%arg0: i32) -> (i32, i32) {
    %c0_i32 = arith.constant 0 : i32
    %c0_i32_0 = arith.constant 0 : i32
    %c0_i32_1 = arith.constant 0 : i32
    return %c0_i32, %c0_i32_0 : i32, i32
  }
  func.func @transform_19(%arg0: i32) -> (i32, i32) {
    %c0_i32 = arith.constant 0 : i32
    %c0_i32_0 = arith.constant 0 : i32
    %c0_i32_1 = arith.constant 0 : i32
    return %c0_i32, %c0_i32_0 : i32, i32
  }
  func.func @transform_20(%arg0: i32) -> (i32, i32) {
    %c0_i32 = arith.constant 0 : i32
    %c0_i32_0 = arith.constant 0 : i32
    %c0_i32_1 = arith.constant 0 : i32
    return %c0_i32, %c0_i32_0 : i32, i32
  }
  func.func @transform_21(%arg0: i32) -> (i32, i32) {
    %c0_i32 = arith.constant 0 : i32
    %c0_i32_0 = arith.constant 0 : i32
    %c0_i32_1 = arith.constant 0 : i32
    return %c0_i32, %c0_i32_0 : i32, i32
  }
  func.func @transform_22(%arg0: i32) -> (i32, i32) {
    %c0_i32 = arith.constant 0 : i32
    %c0_i32_0 = arith.constant 0 : i32
    %c0_i32_1 = arith.constant 0 : i32
    return %c0_i32, %c0_i32_0 : i32, i32
  }
  func.func @transform_23(%arg0: i32) -> (i32, i32) {
    %c0_i32 = arith.constant 0 : i32
    %c0_i32_0 = arith.constant 0 : i32
    %c0_i32_1 = arith.constant 0 : i32
    return %c0_i32, %c0_i32_0 : i32, i32
  }
  func.func @transform_24(%arg0: i32) -> (i32, i32) {
    %c0_i32 = arith.constant 0 : i32
    %c0_i32_0 = arith.constant 0 : i32
    %c0_i32_1 = arith.constant 0 : i32
    return %c0_i32, %c0_i32_0 : i32, i32
  }
  func.func @transform_25(%arg0: i32) -> (i32, i32) {
    %c0_i32 = arith.constant 0 : i32
    %c0_i32_0 = arith.constant 0 : i32
    %c0_i32_1 = arith.constant 0 : i32
    return %c0_i32, %c0_i32_0 : i32, i32
  }
  func.func @transform_26(%arg0: i32) -> (i32, i32) {
    %c0_i32 = arith.constant 0 : i32
    %c0_i32_0 = arith.constant 0 : i32
    %c0_i32_1 = arith.constant 0 : i32
    return %c0_i32, %c0_i32_0 : i32, i32
  }
  func.func @transform_27(%arg0: i32) -> (i32, i32) {
    %c0_i32 = arith.constant 0 : i32
    %c0_i32_0 = arith.constant 0 : i32
    %c0_i32_1 = arith.constant 0 : i32
    return %c0_i32, %c0_i32_0 : i32, i32
  }
  func.func @transform_28(%arg0: i32) -> (i32, i32) {
    %c0_i32 = arith.constant 0 : i32
    %c0_i32_0 = arith.constant 0 : i32
    %c0_i32_1 = arith.constant 0 : i32
    return %c0_i32, %c0_i32_0 : i32, i32
  }
  func.func @transform_29(%arg0: i32) -> (i32, i32) {
    %c0_i32 = arith.constant 0 : i32
    %c0_i32_0 = arith.constant 0 : i32
    %c0_i32_1 = arith.constant 0 : i32
    return %c0_i32, %c0_i32_0 : i32, i32
  }
  func.func @transform_30(%arg0: i32) -> (i32, i32) {
    %c0_i32 = arith.constant 0 : i32
    %c0_i32_0 = arith.constant 0 : i32
    %c0_i32_1 = arith.constant 0 : i32
    return %c0_i32, %c0_i32_0 : i32, i32
  }
  func.func @transform_31(%arg0: i32) -> (i32, i32) {
    %c0_i32 = arith.constant 0 : i32
    %c0_i32_0 = arith.constant 0 : i32
    %c0_i32_1 = arith.constant 0 : i32
    return %c0_i32, %c0_i32_0 : i32, i32
  }
  func.func @transform_32(%arg0: i32) -> (i32, i32) {
    %c0_i32 = arith.constant 0 : i32
    %c0_i32_0 = arith.constant 0 : i32
    %c0_i32_1 = arith.constant 0 : i32
    return %c0_i32, %c0_i32_0 : i32, i32
  }
  func.func @transform_33(%arg0: i32) -> (i32, i32) {
    %c0_i32 = arith.constant 0 : i32
    %c0_i32_0 = arith.constant 0 : i32
    %c0_i32_1 = arith.constant 0 : i32
    return %c0_i32, %c0_i32_0 : i32, i32
  }
  func.func @transform_34(%arg0: i32) -> (i32, i32) {
    %c0_i32 = arith.constant 0 : i32
    %c0_i32_0 = arith.constant 0 : i32
    %c0_i32_1 = arith.constant 0 : i32
    return %c0_i32, %c0_i32_0 : i32, i32
  }
  func.func @transform_35(%arg0: i32) -> (i32, i32) {
    %c0_i32 = arith.constant 0 : i32
    %c0_i32_0 = arith.constant 0 : i32
    %c0_i32_1 = arith.constant 0 : i32
    return %c0_i32, %c0_i32_0 : i32, i32
  }
  func.func @transform_36(%arg0: i32) -> (i32, i32) {
    %c0_i32 = arith.constant 0 : i32
    %c0_i32_0 = arith.constant 0 : i32
    %c0_i32_1 = arith.constant 0 : i32
    return %c0_i32, %c0_i32_0 : i32, i32
  }
  func.func @transform_37(%arg0: i32) -> (i32, i32) {
    %c0_i32 = arith.constant 0 : i32
    %c0_i32_0 = arith.constant 0 : i32
    %c0_i32_1 = arith.constant 0 : i32
    return %c0_i32, %c0_i32_0 : i32, i32
  }
  func.func @transform_38(%arg0: i32) -> (i32, i32) {
    %c0_i32 = arith.constant 0 : i32
    %c0_i32_0 = arith.constant 0 : i32
    %c0_i32_1 = arith.constant 0 : i32
    return %c0_i32, %c0_i32_0 : i32, i32
  }
  func.func @transform_39(%arg0: i32) -> (i32, i32) {
    %c0_i32 = arith.constant 0 : i32
    %c0_i32_0 = arith.constant 0 : i32
    %c0_i32_1 = arith.constant 0 : i32
    return %c0_i32, %c0_i32_0 : i32, i32
  }
  func.func @transform_40(%arg0: i32) -> (i32, i32) {
    %c0_i32 = arith.constant 0 : i32
    %c0_i32_0 = arith.constant 0 : i32
    %c0_i32_1 = arith.constant 0 : i32
    return %c0_i32, %c0_i32_0 : i32, i32
  }
  func.func @transform_41(%arg0: i32) -> (i32, i32) {
    %c0_i32 = arith.constant 0 : i32
    %c0_i32_0 = arith.constant 0 : i32
    %c0_i32_1 = arith.constant 0 : i32
    return %c0_i32, %c0_i32_0 : i32, i32
  }
  func.func @transform_42(%arg0: i32) -> (i32, i32) {
    %c0_i32 = arith.constant 0 : i32
    %c0_i32_0 = arith.constant 0 : i32
    %c0_i32_1 = arith.constant 0 : i32
    return %c0_i32, %c0_i32_0 : i32, i32
  }
  func.func @transform_43(%arg0: i32) -> (i32, i32) {
    %c0_i32 = arith.constant 0 : i32
    %c0_i32_0 = arith.constant 0 : i32
    %c0_i32_1 = arith.constant 0 : i32
    return %c0_i32, %c0_i32_0 : i32, i32
  }
  func.func @transform_44(%arg0: i32) -> (i32, i32) {
    %c0_i32 = arith.constant 0 : i32
    %c0_i32_0 = arith.constant 0 : i32
    %c0_i32_1 = arith.constant 0 : i32
    return %c0_i32, %c0_i32_0 : i32, i32
  }
  func.func @transform_45(%arg0: i32) -> (i32, i32) {
    %c0_i32 = arith.constant 0 : i32
    %c0_i32_0 = arith.constant 0 : i32
    %c0_i32_1 = arith.constant 0 : i32
    return %c0_i32, %c0_i32_0 : i32, i32
  }
  func.func @transform_46(%arg0: i32) -> (i32, i32) {
    %c0_i32 = arith.constant 0 : i32
    %c0_i32_0 = arith.constant 0 : i32
    %c0_i32_1 = arith.constant 0 : i32
    return %c0_i32, %c0_i32_0 : i32, i32
  }
  func.func @transform_47(%arg0: i32) -> (i32, i32) {
    %c0_i32 = arith.constant 0 : i32
    %c0_i32_0 = arith.constant 0 : i32
    return %arg0, %c0_i32 : i32, i32
  }
  func.func @transform_48(%arg0: i32) -> (i32, i32) {
    %c0_i32 = arith.constant 0 : i32
    %c0_i32_0 = arith.constant 0 : i32
    return %arg0, %c0_i32 : i32, i32
  }
  func.func @transform_49(%arg0: i32) -> (i32, i32) {
    %c0_i32 = arith.constant 0 : i32
    %c0_i32_0 = arith.constant 0 : i32
    return %arg0, %c0_i32 : i32, i32
  }
  func.func @transform_50(%arg0: i32) -> (i32, i32) {
    %c0_i32 = arith.constant 0 : i32
    %c0_i32_0 = arith.constant 0 : i32
    return %arg0, %c0_i32 : i32, i32
  }
}

module attributes {stable_mosaic.version = 14 : i64} {
  func.func @_scan_body(%arg0: memref<200x32x128xf32, #tpu.memory_space<vmem>>, %arg1: memref<6400x128xf32, #tpu.memory_space<vmem>>, %arg2: memref<200x32x256xf32, #tpu.memory_space<vmem>>, %arg3: memref<200x32x1xi32, #tpu.memory_space<vmem>>, %arg4: memref<32x128xf32, #tpu.memory_space<vmem>>, %arg5: memref<128x128xf32, #tpu.memory_space<vmem>>, %arg6: memref<128x128xf32, #tpu.memory_space<vmem>>, %arg7: memref<128x256xf32, #tpu.memory_space<vmem>>, %arg8: memref<1x128xf32, #tpu.memory_space<vmem>>, %arg9: memref<1x1xf32, #tpu.memory_space<vmem>>, %arg10: memref<6400x1xf32, #tpu.memory_space<vmem>>, %arg11: memref<200x32x128xf32, #tpu.memory_space<vmem>>) attributes {dimension_semantics = [], scalar_prefetch = 0 : i64, scratch_operands = 1 : i64, tpu.core_type = #tpu.core_type<tc>} {
    %get3A = arith.constant 0 : index
    %get3A_0 = arith.constant 0 : index
    %get3A_1 = vector.load %arg4[%get3A, %get3A_0] : memref<32x128xf32, #tpu.memory_space<vmem>>, vector<32x128xf32>
    %scan3A = arith.constant 0 : i32
    %scan3A_2 = arith.constant 200 : i32
    %scan3A_3 = arith.addi %scan3A, %scan3A_2 : i32
    %scan3A_4 = arith.constant 1 : i32
    %scan3A_5 = scf.for %scan3A_37 = %scan3A to %scan3A_3 step %scan3A_4 iter_args(%scan3A_38 = %get3A_1) -> (vector<32x128xf32>)  : i32 {
      %get3A_39 = arith.constant 0 : index
      %get3A_40 = arith.constant 0 : index
      %get3A_41 = vector.load %arg5[%get3A_39, %get3A_40] : memref<128x128xf32, #tpu.memory_space<vmem>>, vector<128x128xf32>
      %dot_general3A_42 = arith.constant dense<0.000000e+00> : vector<32x128xf32>
      %dot_general3A_43 = tpu.matmul %scan3A_38, %get3A_41, %dot_general3A_42 {dimension_numbers = #tpu.dot_dimension_numbers<[1], [0], [0], [1], [0, 0, 1, 1], [], []>, transpose_lhs_hint = false} : vector<32x128xf32>, vector<128x128xf32>, vector<32x128xf32> -> vector<32x128xf32>
      %get3A_44 = arith.index_cast %scan3A_37 : i32 to index
      %get3A_45 = arith.constant 0 : index
      %get3A_46 = arith.constant 0 : index
      %get3A_47 = vector.load %arg0[%get3A_44, %get3A_45, %get3A_46] : memref<200x32x128xf32, #tpu.memory_space<vmem>>, vector<1x32x128xf32>
      %get3A_48 = vector.shape_cast %get3A_47 : vector<1x32x128xf32> to vector<32x128xf32>
      %add3A_49 = arith.addf %dot_general3A_43, %get3A_48 : vector<32x128xf32>
      %logistic3A_50 = arith.negf %add3A_49 : vector<32x128xf32>
      %logistic3A_51 = math.exp %logistic3A_50 : vector<32x128xf32>
      %logistic3A_52 = arith.constant 1.000000e+00 : f32
      %logistic3A_53 = vector.broadcast %logistic3A_52 : f32 to vector<32x128xf32>
      %logistic3A_54 = arith.addf %logistic3A_53, %logistic3A_51 : vector<32x128xf32>
      %logistic3A_55 = arith.divf %logistic3A_53, %logistic3A_54 : vector<32x128xf32>
      %get3A_56 = arith.index_cast %scan3A_37 : i32 to index
      %get3A_57 = arith.constant 0 : index
      %get3A_58 = arith.constant 0 : index
      %get3A_59 = vector.load %arg3[%get3A_56, %get3A_57, %get3A_58] : memref<200x32x1xi32, #tpu.memory_space<vmem>>, vector<1x32x1xi32>
      %get3A_60 = vector.shape_cast %get3A_59 : vector<1x32x1xi32> to vector<32x1xi32>
      %gt3A = arith.constant 1 : i32
      %gt3A_61 = vector.broadcast %gt3A : i32 to vector<32x1xi32>
      %gt3A_62 = arith.cmpi sgt, %get3A_60, %gt3A_61 : vector<32x1xi32>
      %jit3A = arith.constant 1.000000e+00 : f32
      %broadcast_in_dim3A_63 = vector.shape_cast %gt3A_62 : vector<32x1xi1> to vector<32x1xi1>
      %broadcast_in_dim3A_64 = vector.broadcast %broadcast_in_dim3A_63 : vector<32x1xi1> to vector<32x128xi1>
      %broadcast_in_dim3A_65 = vector.broadcast %jit3A : f32 to vector<32x128xf32>
      %select_n3A = arith.select %broadcast_in_dim3A_64, %logistic3A_55, %broadcast_in_dim3A_65 : vector<32x128xi1>, vector<32x128xf32>
      %mul3A_66 = arith.mulf %select_n3A, %scan3A_38 : vector<32x128xf32>
      %swap3A_67 = arith.index_cast %scan3A_37 : i32 to index
      %swap3A_68 = arith.constant 0 : index
      %swap3A_69 = arith.constant 0 : index
      %swap3A_70 = vector.load %arg11[%swap3A_67, %swap3A_68, %swap3A_69] : memref<200x32x128xf32, #tpu.memory_space<vmem>>, vector<1x32x128xf32>
      %swap3A_71 = vector.shape_cast %swap3A_70 : vector<1x32x128xf32> to vector<32x128xf32>
      %swap3A_72 = vector.shape_cast %mul3A_66 : vector<32x128xf32> to vector<1x32x128xf32>
      tpu.vector_store %arg11[%swap3A_67, %swap3A_68, %swap3A_69], %swap3A_72 {strides = array<i32>} : memref<200x32x128xf32, #tpu.memory_space<vmem>>, vector<1x32x128xf32>,
      %get3A_73 = arith.constant 0 : index
      %get3A_74 = arith.constant 0 : index
      %get3A_75 = vector.load %arg7[%get3A_73, %get3A_74] : memref<128x256xf32, #tpu.memory_space<vmem>>, vector<128x256xf32>
      %dot_general3A_76 = arith.constant dense<0.000000e+00> : vector<32x256xf32>
      %dot_general3A_77 = tpu.matmul %mul3A_66, %get3A_75, %dot_general3A_76 {dimension_numbers = #tpu.dot_dimension_numbers<[1], [0], [0], [1], [0, 0, 1, 1], [], []>, transpose_lhs_hint = false} : vector<32x128xf32>, vector<128x256xf32>, vector<32x256xf32> -> vector<32x256xf32>
      %get3A_78 = arith.index_cast %scan3A_37 : i32 to index
      %get3A_79 = arith.constant 0 : index
      %get3A_80 = arith.constant 0 : index
      %get3A_81 = vector.load %arg2[%get3A_78, %get3A_79, %get3A_80] : memref<200x32x256xf32, #tpu.memory_space<vmem>>, vector<1x32x256xf32>
      %get3A_82 = vector.shape_cast %get3A_81 : vector<1x32x256xf32> to vector<32x256xf32>
      %add3A_83 = arith.addf %dot_general3A_77, %get3A_82 : vector<32x256xf32>
      %slice3A = vector.extract_strided_slice %add3A_83 {offsets = [0, 0], sizes = [32, 128], strides = [1, 1]} : vector<32x256xf32> to vector<32x128xf32>
      %tanh3A = math.tanh %slice3A : vector<32x128xf32>
      %slice3A_84 = vector.extract_strided_slice %add3A_83 {offsets = [0, 128], sizes = [32, 128], strides = [1, 1]} : vector<32x256xf32> to vector<32x128xf32>
      %logistic3A_85 = arith.negf %slice3A_84 : vector<32x128xf32>
      %logistic3A_86 = math.exp %logistic3A_85 : vector<32x128xf32>
      %logistic3A_87 = arith.constant 1.000000e+00 : f32
      %logistic3A_88 = vector.broadcast %logistic3A_87 : f32 to vector<32x128xf32>
      %logistic3A_89 = arith.addf %logistic3A_88, %logistic3A_86 : vector<32x128xf32>
      %logistic3A_90 = arith.divf %logistic3A_88, %logistic3A_89 : vector<32x128xf32>
      %mul3A_91 = arith.mulf %logistic3A_90, %tanh3A : vector<32x128xf32>
      %sub3A = arith.constant 1.000000e+00 : f32
      %sub3A_92 = vector.broadcast %sub3A : f32 to vector<32x128xf32>
      %sub3A_93 = arith.subf %sub3A_92, %logistic3A_90 : vector<32x128xf32>
      %mul3A_94 = arith.mulf %sub3A_93, %mul3A_66 : vector<32x128xf32>
      %add3A_95 = arith.addf %mul3A_91, %mul3A_94 : vector<32x128xf32>
      scf.yield %add3A_95 : vector<32x128xf32>
    }
    %scan3A_6 = arith.constant 200 : i32
    %get3A_7 = arith.constant 0 : index
    %get3A_8 = arith.constant 0 : index
    %get3A_9 = arith.constant 0 : index
    %get3A_10 = vector.load %arg11[%get3A_7, %get3A_8, %get3A_9] : memref<200x32x128xf32, #tpu.memory_space<vmem>>, vector<200x32x128xf32>
    %reshape3A = vector.shape_cast %get3A_10 : vector<200x32x128xf32> to vector<6400x128xf32>
    %get3A_11 = arith.constant 0 : index
    %get3A_12 = arith.constant 0 : index
    %get3A_13 = vector.load %arg6[%get3A_11, %get3A_12] : memref<128x128xf32, #tpu.memory_space<vmem>>, vector<128x128xf32>
    %dot_general3A = arith.constant dense<0.000000e+00> : vector<6400x128xf32>
    %dot_general3A_14 = tpu.matmul %reshape3A, %get3A_13, %dot_general3A {dimension_numbers = #tpu.dot_dimension_numbers<[1], [0], [0], [1], [0, 0, 1, 1], [], []>, transpose_lhs_hint = false} : vector<6400x128xf32>, vector<128x128xf32>, vector<6400x128xf32> -> vector<6400x128xf32>
    %get3A_15 = arith.constant 0 : index
    %get3A_16 = arith.constant 0 : index
    %get3A_17 = vector.load %arg1[%get3A_15, %get3A_16] : memref<6400x128xf32, #tpu.memory_space<vmem>>, vector<6400x128xf32>
    %add3A = arith.addf %dot_general3A_14, %get3A_17 : vector<6400x128xf32>
    %max3A = arith.constant 0.000000e+00 : f32
    %max3A_18 = vector.broadcast %max3A : f32 to vector<6400x128xf32>
    %max3A_19 = arith.maximumf %add3A, %max3A_18 : vector<6400x128xf32>
    %get3A_20 = arith.constant 0 : index
    %get3A_21 = arith.constant 0 : index
    %get3A_22 = vector.load %arg8[%get3A_20, %get3A_21] : memref<1x128xf32, #tpu.memory_space<vmem>>, vector<1x128xf32>
    %mul3A = vector.broadcast %get3A_22 : vector<1x128xf32> to vector<6400x128xf32>
    %mul3A_23 = arith.mulf %max3A_19, %mul3A : vector<6400x128xf32>
    %reduce_sum3A = arith.constant dense<0.000000e+00> : vector<6400xf32>
    %reduce_sum3A_24 = vector.multi_reduction <add>, %mul3A_23, %reduce_sum3A [1] : vector<6400x128xf32> to vector<6400xf32>
    %broadcast_in_dim3A = vector.shape_cast %reduce_sum3A_24 : vector<6400xf32> to vector<6400x1xf32>
    %get3A_25 = arith.constant 0 : index
    %get3A_26 = arith.constant 0 : index
    %get3A_27 = vector.load %arg9[%get3A_25, %get3A_26] : memref<1x1xf32, #tpu.memory_space<vmem>>, vector<1x1xf32>
    %add3A_28 = vector.broadcast %get3A_27 : vector<1x1xf32> to vector<6400x1xf32>
    %add3A_29 = arith.addf %broadcast_in_dim3A, %add3A_28 : vector<6400x1xf32>
    %logistic3A = arith.negf %add3A_29 : vector<6400x1xf32>
    %logistic3A_30 = math.exp %logistic3A : vector<6400x1xf32>
    %logistic3A_31 = arith.constant 1.000000e+00 : f32
    %logistic3A_32 = vector.broadcast %logistic3A_31 : f32 to vector<6400x1xf32>
    %logistic3A_33 = arith.addf %logistic3A_32, %logistic3A_30 : vector<6400x1xf32>
    %logistic3A_34 = arith.divf %logistic3A_32, %logistic3A_33 : vector<6400x1xf32>
    %swap3A = arith.constant 0 : index
    %swap3A_35 = arith.constant 0 : index
    %swap3A_36 = vector.load %arg10[%swap3A, %swap3A_35] : memref<6400x1xf32, #tpu.memory_space<vmem>>, vector<6400x1xf32>
    tpu.vector_store %arg10[%swap3A, %swap3A_35], %logistic3A_34 {strides = array<i32>} : memref<6400x1xf32, #tpu.memory_space<vmem>>, vector<6400x1xf32>,
    return
  }
}

</mosaic_0001>

<sc_bundles>
// kernel: kernel.6.cloned.1.call-start
scs
__scs_entry_jumppad:
0x0: {  	(pc) =	sbr.rel $0x88, $3  }
0x1: {  	(tag) =	ssettag $0x0;
	lr =	simm.s32 $0x1  }
0x2: {  	[smem:$0x3F78] =	sst lr;
	_ =	strace $0xD0000000  }
0x3: {  	_ = 	snop  }
0x4: {  	_ = 	snop  }
0x5: {  	_ = 	snop  }
0x6: {  	_ = 	snop  }
0x7: {  	_ = 	snop  }
__scs_overlays_trampoline_lowered:
0x8: {  	[smem:$0x3F87] =	sst s0  }
0x9: {  	[smem:$0x3F88] =	sst s1  }
0xa: {  	[smem:$0x3F89] =	sst s2  }
0xb: {  	[smem:$0x3F8A] =	sst s3  }
0xc: {  	[smem:$0x3F8B] =	sst s4  }
0xd: {  	[smem:$0x3F8C] =	sst s5  }
0xe: {  	[smem:$0x3F8D] =	sst s6  }
0xf: {  	[smem:$0x3F8E] =	sst s7  }
0x10: {  	[smem:$0x3F8F] =	sst s8  }
0x11: {  	[smem:$0x3F90] =	sst s9;
	s0 =	simm.s32 @!p0 $0x0  }
0x12: {  	s1 =	sld [smem:$0x3F76];
	s0 =	simm.s32 @p0 $0x1  }
0x13: {  	[smem:$0x3F91] =	sst s0;
	s0 =	simm.s32 @!p1 $0x0  }
0x14: {  	s2 =	sld [smem:$0x3F75];
	s0 =	simm.s32 @p1 $0x1  }
0x15: {  	[smem:$0x3F92] =	sst s0;
	s0 =	simm.s32 @!p2 $0x0  }
0x16: {  	s3 =	sld [smem:$0x3FDB];
	s0 =	simm.s32 @p2 $0x1  }
0x17: {  	s4 =	simm.s32 $0x1BF5;
	[smem:$0x3F94] =	sst s0  }
0x18: {  	s0 =	sld [smem:$0x3F77];
	_ =	swait.ge [sflag:s4], $0x0  }
0x19: {  	s7 =	sld [smem:$0x3F78]  }
0x1a: {  	s8 =	sadd.s32 $0xFFFFE003, lr  }
0x1b: {  	s9 =	sadd.s32 $0xFFFFFEF7, lr;
	s5 =	simm.s32 $0xFFFFFFFF;
	p2 =	slt.u32 s8, $0xFFFFF086  }
0x1c: {  	p1 =	slt.u32 s9, $0xF7A;
	s5 =	simm.s32 @!p2 $0x0  }
0x1d: {  	s5 =	simm.s32 @p1 $0x1;
	p0 =	seq.s32 s7, s2  }
0x1e: {  	s7 =	smul.u32 @!p0 $0xF7A, s2;
	p2 =	seq.s32 @!p0 s5, $0x0  }
0x1f: {  	s9 =	smul.u32 $0xF7A, s1;
	s8 =	simm.s32 @!p0 $0x1BF5;
	p2 =	por !p2, p0  }
0x20: {  	[sflag:s8] =	ssyncset.s32 @!p0 $0xFFFFF086;
	s6 =	sadd.s32 @!p0 s3, s7;
	s7 =	simm.s32 @!p0 $0x108  }
0x21: {  	s3 =	sadd.s32 s3, s9;
	s6 =	sadd.s32 @!p0 $0x88, s6;
	s7 =	simm.s32 @p2 $0x1082  }
0x22: {  	[simem:s7], [sflag:s8] =	dma.local @!p0 [hbm:s6], $0xF7A  }
0x23: {  	s9 =	sor.u32 $0xD0000000, s2;
	s6 =	simm.s32 $0x108;
	_ =	swait.ge @!p0 [sflag:s8], $0x0  }
0x24: {  	s3 =	sadd.s32 $0x88, s3;
	s6 =	simm.s32 @!p1 $0x1082;
	[sflag:s4] =	ssyncset.s32 $0xFFFFF086  }
0x25: {  	[simem:s6], [sflag:s4] =	dma.local [hbm:s3], $0xF7A  }
0x26: {  	[smem:$0x3F78] =	sst s1;
	(tag) =	ssettag s2;
	_ =	strace s9  }
0x27: {  	s1 =	sld [smem:$0x3F88]  }
0x28: {  	s2 =	sld [smem:$0x3F89]  }
0x29: {  	s4 =	sld [smem:$0x3F8B]  }
0x2a: {  	p0 =	seq.s32 s5, $0x0;
	s5 =	sld [smem:$0x3F8C]  }
0x2b: {  	s6 =	sld [smem:$0x3F8D]  }
0x2c: {  	s7 =	sld [smem:$0x3F8E]  }
0x2d: {  	s3 =	simm.s32 $0x108;
	s8 =	sld [smem:$0x3F8F]  }
0x2e: {  	s3 =	simm.s32 @!p0 $0x1082;
	s9 =	sld [smem:$0x3F90]  }
0x2f: {  	lr =	sadd.s32 s0, s3;
	s0 =	sld [smem:$0x3F87]  }
0x30: {  	s3 =	sld [smem:$0x3F8A]  }
0x31: {  	[smem:$0x3F93] =	sst s10  }
0x32: {  	s10 =	sld [smem:$0x3F91];
	_ =	sdelay $0x3  }
0x33: {  	p0 =	seq.s32 s10, $0x1;
	s10 =	sld [smem:$0x3F93];
	_ =	sdelay $0x3  }
0x34: {  	[smem:$0x3F93] =	sst s10  }
0x35: {  	s10 =	sld [smem:$0x3F92];
	_ =	sdelay $0x3  }
0x36: {  	p1 =	seq.s32 s10, $0x1;
	s10 =	sld [smem:$0x3F93];
	_ =	sdelay $0x3  }
0x37: {  	[smem:$0x3F93] =	sst s10  }
0x38: {  	s10 =	sld [smem:$0x3F94]  }
0x39: {  	_ = 	snop;
	(pc) =	sbr.ind lr, $3  }
0x3a: {  	_ = 	snop  }
0x3b: {  	_ = 	snop  }
0x3c: {  	p2 =	seq.s32 s10, $0x1;
	s10 =	sld [smem:$0x3F93]  }
0x3d: {  	_ =	shalt  }
0x3e: {  	_ =	shalt  }
0x3f: {  	_ =	shalt  }
0x40: {  	_ =	shalt  }
0x41: {  	_ =	shalt  }
0x42: {  	_ =	shalt  }
0x43: {  	_ =	shalt  }
0x44: {  	_ =	shalt  }
0x45: {  	_ =	shalt  }
0x46: {  	_ =	shalt  }
0x47: {  	_ =	shalt  }
0x48: {  	_ =	shalt  }
0x49: {  	_ =	shalt  }
0x4a: {  	_ =	shalt  }
0x4b: {  	_ =	shalt  }
0x4c: {  	_ =	shalt  }
0x4d: {  	_ =	shalt  }
0x4e: {  	_ =	shalt  }
0x4f: {  	_ =	shalt  }
0x50: {  	_ =	shalt  }
0x51: {  	_ =	shalt  }
0x52: {  	_ =	shalt  }
0x53: {  	_ =	shalt  }
0x54: {  	_ =	shalt  }
0x55: {  	_ =	shalt  }
0x56: {  	_ =	shalt  }
0x57: {  	_ =	shalt  }
0x58: {  	_ =	shalt  }
0x59: {  	_ =	shalt  }
0x5a: {  	_ =	shalt  }
0x5b: {  	_ =	shalt  }
0x5c: {  	_ =	shalt  }
0x5d: {  	_ =	shalt  }
0x5e: {  	_ =	shalt  }
0x5f: {  	_ =	shalt  }
0x60: {  	_ =	shalt  }
0x61: {  	_ =	shalt  }
0x62: {  	_ =	shalt  }
0x63: {  	_ =	shalt  }
0x64: {  	_ =	shalt  }
0x65: {  	_ =	shalt  }
0x66: {  	_ =	shalt  }
0x67: {  	_ =	shalt  }
0x68: {  	_ =	shalt  }
0x69: {  	_ =	shalt  }
0x6a: {  	_ =	shalt  }
0x6b: {  	_ =	shalt  }
0x6c: {  	_ =	shalt  }
0x6d: {  	_ =	shalt  }
0x6e: {  	_ =	shalt  }
0x6f: {  	_ =	shalt  }
0x70: {  	_ =	shalt  }
0x71: {  	_ =	shalt  }
0x72: {  	_ =	shalt  }
0x73: {  	_ =	shalt  }
0x74: {  	_ =	shalt  }
0x75: {  	_ =	shalt  }
0x76: {  	_ =	shalt  }
0x77: {  	_ =	shalt  }
0x78: {  	_ =	shalt  }
0x79: {  	_ =	shalt  }
0x7a: {  	_ =	shalt  }
0x7b: {  	_ =	shalt  }
0x7c: {  	_ =	shalt  }
0x7d: {  	_ =	shalt  }
0x7e: {  	_ =	shalt  }
0x7f: {  	_ =	shalt  }
0x80: {  	_ =	shalt  }
0x81: {  	_ =	shalt  }
0x82: {  	_ =	shalt  }
0x83: {  	_ =	shalt  }
0x84: {  	_ =	shalt  }
0x85: {  	_ =	shalt  }
0x86: {  	_ =	shalt  }
0x87: {  	_ =	shalt  }
.Lfunc_end0:
.L_simem_size_0:
called_computation_lowered:
.L_overlay_start_0:
0x88: {  	s2 =	sld [smem:$0x3FD9]  }
0x89: {  	s3 =	sld [smem:$0x3FFE];
	_ =	sdelay $0x1  }
0x8a: {  	s1 =	srdreg.scid  }
0x8b: {  	s0 =	sand.u32 $0x1, s1  }
0x8c: {  	s14 =	sshll.u32 s0, $0xA;
	s2 =	sadd.s32 s3, s2  }
0x8d: {  	s2 =	sadd.s32 s2, s14  }
0x8e: {  	[smem:$0x3F9F] =	sst s2  }
0x8f: {  	_ = 	snop  }
0x90: {  	s2 =	sld [smem:$0x3FD0];
	_ =	sdelay $0x2  }
0x91: {  	s15 =	simm.s32 $0xA;
	s4 =	simm.s32 $0x10  }
0x92: {  	[smem:s4], [sflag:s15] =	dma.local [hbm:s2], $0x1  }
0x93: {  	_ =	swait.eq [sflag:s15], $0x1  }
0x94: {  	[sflag:s15] =	ssyncset.done $0x0  }
0x95: {  	[sflag:s15] =	ssyncadd.s32 $0xFFFFFFFF  }
0x96: {  	s16 =	sld [smem:$0x11];
	(tm) =	ssettm $0x1  }
0x97: {  	s17 =	sld [smem:$0x3FFB];
	_ =	sdelay $0x3  }
0x98: {  	_ =	strace s17  }
0x99: {  	s3 =	sld [smem:$0x3FFC];
	_ =	sdelay $0x3  }
0x9a: {  	_ =	strace s3  }
0x9b: {  	s3 =	sld [smem:$0x3FFD];
	_ =	sdelay $0x3  }
0x9c: {  	_ =	strace s3  }
0x9d: {  	_ =	strace $0x8FFFFFFF  }
0x9e: {  	s18 =	sld [smem:$0x3FDB];
	_ =	sdelay $0x1  }
0x9f: {  	s19 =	simm.s32 $_scs_section_size  }
0xa0: {  	s5 =	simm.s32 $_size__tile_overlayer_lowered;
	s6 =	simm.s32 $_tile_overlayer_lowered  }
0xa1: {  	s22 =	simm.s32 $0x1BFF;
	s21 =	sshll.u32 s6, $0x1;
	s3 =	sadd.s32 s19, s18  }
0xa2: {  	s7 =	simm.s32 $0x0;
	s20 =	sshll.u32 s5, $0x1;
	s5 =	sadd.s32 s21, s3  }
0xa3: {  	[timem:s7], [sflag:s22] =	dma.local [hbm:s5], s20  }
0xa4: {  	_ =	swait.ge [sflag:s22], s20  }
0xa5: {  	s4 =	ssub.s32 $0x0, s20;
	[sflag:s22] =	ssyncset.done $0x0  }
0xa6: {  	[sflag:s22] =	ssyncadd.s32 s4;
	_ =	sdelay $0x1  }
0xa7: {  	s23 =	simm.s32 $0x1B8B  }
0xa8: {  	_ =	swait.ge [sflag:s23], $0x1  }
0xa9: {  	[sflag:s23] =	ssyncset.done $0x0  }
0xaa: {  	s25 =	simm.s32 $0x1B8E;
	s24 =	sld [smem:$0x3FFE];
	[sflag:s23] =	ssyncadd.s32 $0xFFFFFFFF  }
0xab: {  	s26 =	simm.s32 $execute0_lowered;
	[smem:$0x3FD2] =	sst s25  }
0xac: {  	s5 =	sshll.u32 s26, $0x1;
	_ =	strace $0x80000046;
	[dreg:$0x1] =	wrdreg $0xFFFFFFFF  }
0xad: {  	s28 =	simm.s32 $_size_execute0_lowered;
	s3 =	sadd.s32 s3, s5;
	[dreg:$0x0] =	wrdreg $0x0  }
0xae: {  	s5 =	sshll.u32 s28, $0x1;
	[dreg:$0x2] =	wrdreg s3  }
0xaf: {  	[dreg:$0x3] =	wrdreg s5  }
0xb0: {  	[dreg:$0x4] =	wrdreg $0xC0  }
0xb1: {  	_ =	task [dreg:s7], $0x5FFFF  }
0xb2: {  	[dreg:$0x1] =	wrdreg $0xFFFFFFFF  }
0xb3: {  	[dreg:$0x0] =	wrdreg $0x60  }
0xb4: {  	[dreg:$0x2] =	wrdreg s24  }
0xb5: {  	[dreg:$0x3] =	wrdreg s16  }
0xb6: {  	[dreg:$0x4] =	wrdreg $0x9  }
0xb7: {  	_ =	task.clear_ibuf [dreg:s7], $0x5FFFF;
	_ =	strace $0x90000046  }
0xb8: {  	s29 =	simm.s32 $0x9;
	_ =	strace $0x80000048  }
0xb9: {  	_ =	swait.ge [sflag:s29], $0x1  }
0xba: {  	[sflag:s29] =	ssyncadd.s32 $0xFFFFFFFF  }
0xbb: {  	_ =	strace $0x90000048  }
0xbc: {  	_ =	sfence  }
0xbd: {  	s30 =	sld [smem:$0x0];
	_ =	sdelay $0x2  }
0xbe: {  	s31 =	sshll.u32 s1, $0xD;
	s1 =	sshrl.u32 s1, $0x2  }
0xbf: {  	s3 =	sand.u32 $0x4000, s31;
	s1 =	sadd.s32 s1, s30  }
0xc0: {  	s0 =	sor.u32 s3, s0;
	s1 =	sshll.u32 s1, $0x11  }
0xc1: {  	s0 =	sor.u32 s1, s0  }
0xc2: {  	s0 =	sadd.s32 $0x8F2B, s0  }
0xc3: {  	[sflag:s0] =	ssyncadd.remote.s32 $0x1  }
0xc4: {  	_ =	sfence.sel $0xFFFF  }
0xc5: {  	[dreg:$0x0] =	wrdreg $0xFFFFFFFF;
	(pc) =	sbr.abs _section_cstart, $3  }
0xc6: {  	[dreg:$0x1] =	wrdreg $0xFFFFFFFF  }
0xc7: {  	_ =	task.clear_ibuf [dreg:s7], $0x2FFFF;
	_ =	strace $0x9FFFFFFF  }
0xc8: {  	(tm) =	ssettm $0x7FFFFFFF  }
0xc9: {  	_ =	shalt  }
tec
execute0_lowered:
.L_overlay_start_1:
0x0: {  	(tag) =	ssettag $0x1  }
0x1: {  	s0 =	rddreg [dreg:$0x0]  }
0x2: {  	s5 =	rddreg [dreg:$0x1];
	s3 =	srdreg.scid  }
0x3: {  	s1 =	stileid.u32;
	s2 =	simm.s32 $0x0;
	s28 =	simm.s32 $0x3D00  }
0x4: {  	s29 =	simm.s32 $0x4500;
	s30 =	simm.s32 $0x4D00;
	s31 =	simm.s32 $0x5500  }
0x5: {  	s6 =	sand.u32 $0x1, s3;
	s17 =	sshll.u32 s1, $0x1;
	[smem:$0x7FF] =	sst s2  }
0x6: {  	s3 =	sadd.s32 $0x7400, s0;
	s4 =	sadd.s32 $0x122400, s0;
	s7 =	sor.u32 s6, s17  }
0x7: {  	s9 =	sadd.s32 $0x37400, s0;
	s13 =	sadd.s32 $0x50400, s0;
	s8 =	smul.u32 $0xC8, s7  }
0x8: {  	_ =	strace $0x80000047;
	s6 =	ssub.s32 $0x2, s6;
	s11 =	smul.u32 $0xC80, s7  }
0x9: {  	s17 =	simm.s32 $0x100;
	s12 =	sshrl.u32 s6, $0x1;
	s16 =	smul.u32 $0x3200, s7  }
0xa: {  	s14 =	ssub.s32 s6, s12;
	s10 =	sshrl.u32 s8, $0x3;
	s18 =	sadd.s32 $0x28, s8  }
0xb: {  	s19 =	sadd.s32 s9, s11;
	s22 =	sadd.s32 $0x50, s8;
	s24 =	sadd.s32 $0x78, s8  }
0xc: {  	s15 =	sadd.s32 $0xA0, s8;
	s14 =	smax.u32 s14, $0x1;
	s5 =	sadd.s32 s5, s10  }
0xd: {  	s20 =	sshll.u32 s18, $0x4;
	[dreg:$0x4] =	wrdreg s19;
	s23 =	sshll.u32 s22, $0x4  }
0xe: {  	s25 =	sshll.u32 s24, $0x4;
	s8 =	sshll.u32 s15, $0x4;
	s10 =	sshll.u32 s18, $0x6  }
0xf: {  	s26 =	sshll.u32 s22, $0x6;
	s12 =	sshll.u32 s24, $0x6;
	s15 =	sshll.u32 s15, $0x6  }
0x10: {  	s18 =	simm.s32 $0x1;
	s19 =	simm.s32 $0x50;
	s22 =	simm.s32 $0x1500  }
0x11: {  	s24 =	simm.s32 $0x2500;
	[dreg:$0x3] =	wrdreg s5;
	s21 =	sadd.s32 s9, s20  }
0x12: {  	s5 =	sadd.s32 s9, s23;
	s6 =	sadd.s32 s9, s25;
	s7 =	sadd.s32 s9, s8  }
0x13: {  	s8 =	sadd.s32 $0x122500, s0;
	s9 =	sadd.s32 s13, s16;
	s10 =	sadd.s32 s13, s10  }
0x14: {  	s11 =	sadd.s32 s13, s26;
	s12 =	sadd.s32 s13, s12;
	s13 =	sadd.s32 s13, s15  }
0x15: {  	v2 =	vlaneseq.u32;
	s15 =	simm.s32 $0x2;
	s16 =	simm.s32 $0x28;
	s20 =	simm.s32 $0x78  }
0x16: {  	vm0 =	vmmov $0xffff;
	v1 =	vshrl.u32 v2, $0x3;
	s23 =	simm.s32 $0x1D00;
	s25 =	simm.s32 $0x2D00;
	s26 =	simm.s32 $0x3500  }
0x17: {  	v0 =	vand.u32 $0x7, v2;
	v2 =	vor.u32 $0x8, v2;
	v1 =	vmul.u32 $0x8, v1;
	s0 =	simm.s32 $0x5D00;
	[dreg:$0x5] =	wrdreg s21;
	s21 =	simm.s32 $0xA0  }
.LBB2_1:
0x18: {  	s1 =	rddreg [dreg:$0x3]  }
0x19: {  	[tilespmem:s2], [sflag:$0x2] =	stream.linear.gather [hbm4b:s1+s2], $0xC8, $0x38;
	[tilespmem:$0x6500] =	vst v63  }
0x1a: {  	_ =	swait.ge [sflag:s15], $0xC8  }
0x1b: {  	[sflag:s15] =	ssyncset.done $0x0  }
0x1c: {  	[sflag:s15] =	ssyncadd.s32 $0xFFFFFF38  }
0x1d: {  	[tilespmem:s17], [sflag:$0x1] =	stream.indirect.gather [hbm4b:s3+s16], $0x80, s2, s16, $0xb8;
	[tilespmem:$0x6500] =	vst v63  }
0x1e: {  	_ =	swait.ge [sflag:s18], $0x1400  }
0x1f: {  	[sflag:s18] =	ssyncset.done $0x0  }
0x20: {  	s1 =	rddreg [dreg:$0x4];
	[sflag:s18] =	ssyncadd.s32 $0xFFFFEC00  }
0x21: {  	[hbm4b:s1+s2] =	stream.linear.scatter [tilespmem:s17], [sflag:$0x2], $0x1400, $0x38;
	[tilespmem:$0x6500] =	vst v63  }
0x22: {  	_ =	swait.ge [sflag:s15], $0x1400  }
0x23: {  	[sflag:s15] =	ssyncset.done $0x0  }
0x24: {  	[sflag:s15] =	ssyncadd.s32 $0xFFFFEC00  }
0x25: {  	[tilespmem:s17], [sflag:$0x1] =	stream.indirect.gather [hbm4b:s3+s16], $0x80, s16, s16, $0xb8;
	[tilespmem:$0x6500] =	vst v63  }
0x26: {  	_ =	swait.ge [sflag:s18], $0x1400  }
0x27: {  	[sflag:s18] =	ssyncset.done $0x0  }
0x28: {  	s1 =	rddreg [dreg:$0x5];
	[sflag:s18] =	ssyncadd.s32 $0xFFFFEC00  }
0x29: {  	[hbm4b:s1+s2] =	stream.linear.scatter [tilespmem:s17], [sflag:$0x2], $0x1400, $0x38;
	[tilespmem:$0x6500] =	vst v63  }
0x2a: {  	_ =	swait.ge [sflag:s15], $0x1400  }
0x2b: {  	[sflag:s15] =	ssyncset.done $0x0  }
0x2c: {  	[sflag:s15] =	ssyncadd.s32 $0xFFFFEC00  }
0x2d: {  	[tilespmem:s17], [sflag:$0x1] =	stream.indirect.gather [hbm4b:s3+s16], $0x80, s19, s16, $0xb8;
	[tilespmem:$0x6500] =	vst v63  }
0x2e: {  	_ =	swait.ge [sflag:s18], $0x1400  }
0x2f: {  	[sflag:s18] =	ssyncset.done $0x0  }
0x30: {  	[sflag:s18] =	ssyncadd.s32 $0xFFFFEC00  }
0x31: {  	[hbm4b:s5+s2] =	stream.linear.scatter [tilespmem:s17], [sflag:$0x2], $0x1400, $0x38;
	[tilespmem:$0x6500] =	vst v63  }
0x32: {  	_ =	swait.ge [sflag:s15], $0x1400  }
0x33: {  	[sflag:s15] =	ssyncset.done $0x0  }
0x34: {  	[sflag:s15] =	ssyncadd.s32 $0xFFFFEC00  }
0x35: {  	[tilespmem:s17], [sflag:$0x1] =	stream.indirect.gather [hbm4b:s3+s16], $0x80, s20, s16, $0xb8;
	[tilespmem:$0x6500] =	vst v63  }
0x36: {  	_ =	swait.ge [sflag:s18], $0x1400  }
0x37: {  	[sflag:s18] =	ssyncset.done $0x0  }
0x38: {  	[sflag:s18] =	ssyncadd.s32 $0xFFFFEC00  }
0x39: {  	[hbm4b:s6+s2] =	stream.linear.scatter [tilespmem:s17], [sflag:$0x2], $0x1400, $0x38;
	[tilespmem:$0x6500] =	vst v63  }
0x3a: {  	_ =	swait.ge [sflag:s15], $0x1400  }
0x3b: {  	[sflag:s15] =	ssyncset.done $0x0  }
0x3c: {  	[sflag:s15] =	ssyncadd.s32 $0xFFFFEC00  }
0x3d: {  	[tilespmem:s17], [sflag:$0x1] =	stream.indirect.gather [hbm4b:s3+s16], $0x80, s21, s16, $0xb8;
	[tilespmem:$0x6500] =	vst v63  }
0x3e: {  	_ =	swait.ge [sflag:s18], $0x1400  }
0x3f: {  	[sflag:s18] =	ssyncset.done $0x0  }
0x40: {  	[sflag:s18] =	ssyncadd.s32 $0xFFFFEC00  }
0x41: {  	[hbm4b:s7+s2] =	stream.linear.scatter [tilespmem:s17], [sflag:$0x2], $0x1400, $0x38;
	[tilespmem:$0x6500] =	vst v63  }
0x42: {  	_ =	swait.ge [sflag:s15], $0x1400  }
0x43: {  	[sflag:s15] =	ssyncset.done $0x0  }
0x44: {  	[sflag:s15] =	ssyncadd.s32 $0xFFFFEC00  }
0x45: {  	v3 =	vld [tilespmem:$0x0];
	_ =	sdelay $0x4  }
0x46: {  	v4 =	vshll.u32 v3, $0x2  }
0x47: {  	v3 =	vand.u32 $0x7, v3;
	v4 =	vand.u32 $0xFFFFFFE0, v4  }
0x48: {  	v3 =	vor.u32 v3, v4  }
0x49: {  	v4 =	vperm.xlane v3, v0;
	_ =	sdelay $0x1  }
0x4a: {  	v4 =	vadd.s32 v1, v4;
	_ =	sdelay $0x1  }
0x4b: {  	v3 =	vperm.xlane v3, v2;
	_ =	sdelay $0x1  }
0x4c: {  	v3 =	vadd.s32 v1, v3  }
0x4d: {  	[tilespmem:s22], [sflag:$0x1] =	stream.indirect_vreg.gather [hbm4b:s4+s2], $0x80, v4, vm0, $0xb8;
	[tilespmem:$0x6500] =	vst v63  }
0x4e: {  	_ = 	snop  }
0x4f: {  	[tilespmem:s23], [sflag:$0x1] =	stream.indirect_vreg.gather [hbm4b:s8+s2], $0x80, v4, vm0, $0xb8;
	[tilespmem:$0x6500] =	vst v63  }
0x50: {  	_ = 	snop  }
0x51: {  	[tilespmem:s24], [sflag:$0x1] =	stream.indirect_vreg.gather [hbm4b:s4+s2], $0x80, v3, vm0, $0xb8;
	[tilespmem:$0x6500] =	vst v63  }
0x52: {  	_ = 	snop  }
0x53: {  	[tilespmem:s25], [sflag:$0x1] =	stream.indirect_vreg.gather [hbm4b:s8+s2], $0x80, v3, vm0, $0xb8;
	[tilespmem:$0x6500] =	vst v63  }
0x54: {  	v3 =	vld [tilespmem:$0x10];
	_ =	sdelay $0x4  }
0x55: {  	v50 =	vshll.u32 v3, $0x2  }
0x56: {  	v3 =	vand.u32 $0x7, v3;
	v4 =	vand.u32 $0xFFFFFFE0, v50  }
0x57: {  	v3 =	vor.u32 v3, v4  }
0x58: {  	v4 =	vperm.xlane v3, v0;
	_ =	sdelay $0x1  }
0x59: {  	v4 =	vadd.s32 v1, v4;
	_ =	sdelay $0x1  }
0x5a: {  	v3 =	vperm.xlane v3, v2;
	_ =	sdelay $0x1  }
0x5b: {  	v3 =	vadd.s32 v1, v3  }
0x5c: {  	[tilespmem:s26], [sflag:$0x1] =	stream.indirect_vreg.gather [hbm4b:s4+s2], $0x80, v4, vm0, $0xb8;
	[tilespmem:$0x6500] =	vst v63  }
0x5d: {  	_ = 	snop  }
0x5e: {  	[tilespmem:s28], [sflag:$0x1] =	stream.indirect_vreg.gather [hbm4b:s8+s2], $0x80, v4, vm0, $0xb8;
	[tilespmem:$0x6500] =	vst v63  }
0x5f: {  	_ = 	snop  }
0x60: {  	[tilespmem:s29], [sflag:$0x1] =	stream.indirect_vreg.gather [hbm4b:s4+s2], $0x80, v3, vm0, $0xb8;
	[tilespmem:$0x6500] =	vst v63  }
0x61: {  	_ = 	snop  }
0x62: {  	[tilespmem:s30], [sflag:$0x1] =	stream.indirect_vreg.gather [hbm4b:s8+s2], $0x80, v3, vm0, $0xb8;
	[tilespmem:$0x6500] =	vst v63  }
0x63: {  	v3 =	vld.msk [tilespmem:$0x20], $0xff;
	_ =	sdelay $0x4  }
0x64: {  	v51 =	vshll.u32 v3, $0x2  }
0x65: {  	v3 =	vand.u32 $0x7, v3;
	v4 =	vand.u32 $0xFFFFFFE0, v51  }
0x66: {  	v3 =	vor.u32 v3, v4  }
0x67: {  	v3 =	vperm.xlane v3, v0;
	_ =	sdelay $0x1  }
0x68: {  	v3 =	vadd.s32 v1, v3;
	_ =	sdelay $0x4  }
0x69: {  	[tilespmem:s31], [sflag:$0x1] =	stream.indirect_vreg.gather [hbm4b:s4+s2], $0x80, v3, vm0, $0xb8;
	[tilespmem:$0x6500] =	vst v63  }
0x6a: {  	_ = 	snop  }
0x6b: {  	[tilespmem:s0], [sflag:$0x1] =	stream.indirect_vreg.gather [hbm4b:s8+s2], $0x80, v3, vm0, $0xb8;
	[tilespmem:$0x6500] =	vst v63  }
0x6c: {  	_ =	swait.ge [sflag:s18], $0x5000  }
0x6d: {  	[sflag:s18] =	ssyncset.done $0x0  }
0x6e: {  	[sflag:s18] =	ssyncadd.s32 $0xFFFFB000  }
0x6f: {  	[hbm4b:s9+s2] =	stream.linear.scatter [tilespmem:s22], [sflag:$0x2], $0x5000, $0x38;
	[tilespmem:$0x6500] =	vst v63  }
0x70: {  	_ =	swait.ge [sflag:s15], $0x5000  }
0x71: {  	[sflag:s15] =	ssyncset.done $0x0  }
0x72: {  	[sflag:s15] =	ssyncadd.s32 $0xFFFFB000  }
0x73: {  	v3 =	vld [tilespmem:$0x28];
	_ =	sdelay $0x4  }
0x74: {  	v52 =	vshll.u32 v3, $0x2  }
0x75: {  	v3 =	vand.u32 $0x7, v3;
	v4 =	vand.u32 $0xFFFFFFE0, v52  }
0x76: {  	v3 =	vor.u32 v3, v4  }
0x77: {  	v4 =	vperm.xlane v3, v0;
	_ =	sdelay $0x1  }
0x78: {  	v4 =	vadd.s32 v1, v4;
	_ =	sdelay $0x1  }
0x79: {  	v3 =	vperm.xlane v3, v2;
	_ =	sdelay $0x1  }
0x7a: {  	v3 =	vadd.s32 v1, v3  }
0x7b: {  	[tilespmem:s22], [sflag:$0x1] =	stream.indirect_vreg.gather [hbm4b:s4+s2], $0x80, v4, vm0, $0xb8;
	[tilespmem:$0x6500] =	vst v63  }
0x7c: {  	_ = 	snop  }
0x7d: {  	[tilespmem:s23], [sflag:$0x1] =	stream.indirect_vreg.gather [hbm4b:s8+s2], $0x80, v4, vm0, $0xb8;
	[tilespmem:$0x6500] =	vst v63  }
0x7e: {  	_ = 	snop  }
0x7f: {  	[tilespmem:s24], [sflag:$0x1] =	stream.indirect_vreg.gather [hbm4b:s4+s2], $0x80, v3, vm0, $0xb8;
	[tilespmem:$0x6500] =	vst v63  }
0x80: {  	_ = 	snop  }
0x81: {  	[tilespmem:s25], [sflag:$0x1] =	stream.indirect_vreg.gather [hbm4b:s8+s2], $0x80, v3, vm0, $0xb8;
	[tilespmem:$0x6500] =	vst v63  }
0x82: {  	v3 =	vld [tilespmem:$0x38];
	_ =	sdelay $0x4  }
0x83: {  	v53 =	vshll.u32 v3, $0x2  }
0x84: {  	v3 =	vand.u32 $0x7, v3;
	v4 =	vand.u32 $0xFFFFFFE0, v53  }
0x85: {  	v3 =	vor.u32 v3, v4  }
0x86: {  	v4 =	vperm.xlane v3, v0;
	_ =	sdelay $0x1  }
0x87: {  	v4 =	vadd.s32 v1, v4;
	_ =	sdelay $0x1  }
0x88: {  	v3 =	vperm.xlane v3, v2;
	_ =	sdelay $0x1  }
0x89: {  	v3 =	vadd.s32 v1, v3  }
0x8a: {  	[tilespmem:s26], [sflag:$0x1] =	stream.indirect_vreg.gather [hbm4b:s4+s2], $0x80, v4, vm0, $0xb8;
	[tilespmem:$0x6500] =	vst v63  }
0x8b: {  	_ = 	snop  }
0x8c: {  	[tilespmem:s28], [sflag:$0x1] =	stream.indirect_vreg.gather [hbm4b:s8+s2], $0x80, v4, vm0, $0xb8;
	[tilespmem:$0x6500] =	vst v63  }
0x8d: {  	_ = 	snop  }
0x8e: {  	[tilespmem:s29], [sflag:$0x1] =	stream.indirect_vreg.gather [hbm4b:s4+s2], $0x80, v3, vm0, $0xb8;
	[tilespmem:$0x6500] =	vst v63  }
0x8f: {  	_ = 	snop  }
0x90: {  	[tilespmem:s30], [sflag:$0x1] =	stream.indirect_vreg.gather [hbm4b:s8+s2], $0x80, v3, vm0, $0xb8;
	[tilespmem:$0x6500] =	vst v63  }
0x91: {  	v3 =	vld.msk [tilespmem:$0x48], $0xff;
	_ =	sdelay $0x4  }
0x92: {  	v54 =	vshll.u32 v3, $0x2  }
0x93: {  	v3 =	vand.u32 $0x7, v3;
	v4 =	vand.u32 $0xFFFFFFE0, v54  }
0x94: {  	v3 =	vor.u32 v3, v4  }
0x95: {  	v3 =	vperm.xlane v3, v0;
	_ =	sdelay $0x1  }
0x96: {  	v3 =	vadd.s32 v1, v3;
	_ =	sdelay $0x4  }
0x97: {  	[tilespmem:s31], [sflag:$0x1] =	stream.indirect_vreg.gather [hbm4b:s4+s2], $0x80, v3, vm0, $0xb8;
	[tilespmem:$0x6500] =	vst v63  }
0x98: {  	_ = 	snop  }
0x99: {  	[tilespmem:s0], [sflag:$0x1] =	stream.indirect_vreg.gather [hbm4b:s8+s2], $0x80, v3, vm0, $0xb8;
	[tilespmem:$0x6500] =	vst v63  }
0x9a: {  	_ =	swait.ge [sflag:s18], $0x5000  }
0x9b: {  	[sflag:s18] =	ssyncset.done $0x0  }
0x9c: {  	[sflag:s18] =	ssyncadd.s32 $0xFFFFB000  }
0x9d: {  	[hbm4b:s10+s2] =	stream.linear.scatter [tilespmem:s22], [sflag:$0x2], $0x5000, $0x38;
	[tilespmem:$0x6500] =	vst v63  }
0x9e: {  	_ =	swait.ge [sflag:s15], $0x5000  }
0x9f: {  	[sflag:s15] =	ssyncset.done $0x0  }
0xa0: {  	[sflag:s15] =	ssyncadd.s32 $0xFFFFB000  }
0xa1: {  	v3 =	vld [tilespmem:$0x50];
	_ =	sdelay $0x4  }
0xa2: {  	v55 =	vshll.u32 v3, $0x2  }
0xa3: {  	v3 =	vand.u32 $0x7, v3;
	v4 =	vand.u32 $0xFFFFFFE0, v55  }
0xa4: {  	v3 =	vor.u32 v3, v4  }
0xa5: {  	v4 =	vperm.xlane v3, v0;
	_ =	sdelay $0x1  }
0xa6: {  	v4 =	vadd.s32 v1, v4;
	_ =	sdelay $0x1  }
0xa7: {  	v3 =	vperm.xlane v3, v2;
	_ =	sdelay $0x1  }
0xa8: {  	v3 =	vadd.s32 v1, v3  }
0xa9: {  	[tilespmem:s22], [sflag:$0x1] =	stream.indirect_vreg.gather [hbm4b:s4+s2], $0x80, v4, vm0, $0xb8;
	[tilespmem:$0x6500] =	vst v63  }
0xaa: {  	_ = 	snop  }
0xab: {  	[tilespmem:s23], [sflag:$0x1] =	stream.indirect_vreg.gather [hbm4b:s8+s2], $0x80, v4, vm0, $0xb8;
	[tilespmem:$0x6500] =	vst v63  }
0xac: {  	_ = 	snop  }
0xad: {  	[tilespmem:s24], [sflag:$0x1] =	stream.indirect_vreg.gather [hbm4b:s4+s2], $0x80, v3, vm0, $0xb8;
	[tilespmem:$0x6500] =	vst v63  }
0xae: {  	_ = 	snop  }
0xaf: {  	[tilespmem:s25], [sflag:$0x1] =	stream.indirect_vreg.gather [hbm4b:s8+s2], $0x80, v3, vm0, $0xb8;
	[tilespmem:$0x6500] =	vst v63  }
0xb0: {  	v3 =	vld [tilespmem:$0x60];
	_ =	sdelay $0x4  }
0xb1: {  	v56 =	vshll.u32 v3, $0x2  }
0xb2: {  	v3 =	vand.u32 $0x7, v3;
	v4 =	vand.u32 $0xFFFFFFE0, v56  }
0xb3: {  	v3 =	vor.u32 v3, v4  }
0xb4: {  	v4 =	vperm.xlane v3, v0;
	_ =	sdelay $0x1  }
0xb5: {  	v4 =	vadd.s32 v1, v4;
	_ =	sdelay $0x1  }
0xb6: {  	v3 =	vperm.xlane v3, v2;
	_ =	sdelay $0x1  }
0xb7: {  	v3 =	vadd.s32 v1, v3  }
0xb8: {  	[tilespmem:s26], [sflag:$0x1] =	stream.indirect_vreg.gather [hbm4b:s4+s2], $0x80, v4, vm0, $0xb8;
	[tilespmem:$0x6500] =	vst v63  }
0xb9: {  	_ = 	snop  }
0xba: {  	[tilespmem:s28], [sflag:$0x1] =	stream.indirect_vreg.gather [hbm4b:s8+s2], $0x80, v4, vm0, $0xb8;
	[tilespmem:$0x6500] =	vst v63  }
0xbb: {  	_ = 	snop  }
0xbc: {  	[tilespmem:s29], [sflag:$0x1] =	stream.indirect_vreg.gather [hbm4b:s4+s2], $0x80, v3, vm0, $0xb8;
	[tilespmem:$0x6500] =	vst v63  }
0xbd: {  	_ = 	snop  }
0xbe: {  	[tilespmem:s30], [sflag:$0x1] =	stream.indirect_vreg.gather [hbm4b:s8+s2], $0x80, v3, vm0, $0xb8;
	[tilespmem:$0x6500] =	vst v63  }
0xbf: {  	v3 =	vld.msk [tilespmem:$0x70], $0xff;
	_ =	sdelay $0x4  }
0xc0: {  	v57 =	vshll.u32 v3, $0x2  }
0xc1: {  	v3 =	vand.u32 $0x7, v3;
	v4 =	vand.u32 $0xFFFFFFE0, v57  }
0xc2: {  	v3 =	vor.u32 v3, v4  }
0xc3: {  	v3 =	vperm.xlane v3, v0;
	_ =	sdelay $0x1  }
0xc4: {  	v3 =	vadd.s32 v1, v3;
	_ =	sdelay $0x4  }
0xc5: {  	[tilespmem:s31], [sflag:$0x1] =	stream.indirect_vreg.gather [hbm4b:s4+s2], $0x80, v3, vm0, $0xb8;
	[tilespmem:$0x6500] =	vst v63  }
0xc6: {  	_ = 	snop  }
0xc7: {  	[tilespmem:s0], [sflag:$0x1] =	stream.indirect_vreg.gather [hbm4b:s8+s2], $0x80, v3, vm0, $0xb8;
	[tilespmem:$0x6500] =	vst v63  }
0xc8: {  	_ =	swait.ge [sflag:s18], $0x5000  }
0xc9: {  	[sflag:s18] =	ssyncset.done $0x0  }
0xca: {  	[sflag:s18] =	ssyncadd.s32 $0xFFFFB000  }
0xcb: {  	[hbm4b:s11+s2] =	stream.linear.scatter [tilespmem:s22], [sflag:$0x2], $0x5000, $0x38;
	[tilespmem:$0x6500] =	vst v63  }
0xcc: {  	_ =	swait.ge [sflag:s15], $0x5000  }
0xcd: {  	[sflag:s15] =	ssyncset.done $0x0  }
0xce: {  	[sflag:s15] =	ssyncadd.s32 $0xFFFFB000  }
0xcf: {  	v3 =	vld [tilespmem:$0x78];
	_ =	sdelay $0x4  }
0xd0: {  	v58 =	vshll.u32 v3, $0x2  }
0xd1: {  	v3 =	vand.u32 $0x7, v3;
	v4 =	vand.u32 $0xFFFFFFE0, v58  }
0xd2: {  	v3 =	vor.u32 v3, v4  }
0xd3: {  	v4 =	vperm.xlane v3, v0;
	_ =	sdelay $0x1  }
0xd4: {  	v4 =	vadd.s32 v1, v4;
	_ =	sdelay $0x1  }
0xd5: {  	v3 =	vperm.xlane v3, v2;
	_ =	sdelay $0x1  }
0xd6: {  	v3 =	vadd.s32 v1, v3  }
0xd7: {  	[tilespmem:s22], [sflag:$0x1] =	stream.indirect_vreg.gather [hbm4b:s4+s2], $0x80, v4, vm0, $0xb8;
	[tilespmem:$0x6500] =	vst v63  }
0xd8: {  	_ = 	snop  }
0xd9: {  	[tilespmem:s23], [sflag:$0x1] =	stream.indirect_vreg.gather [hbm4b:s8+s2], $0x80, v4, vm0, $0xb8;
	[tilespmem:$0x6500] =	vst v63  }
0xda: {  	_ = 	snop  }
0xdb: {  	[tilespmem:s24], [sflag:$0x1] =	stream.indirect_vreg.gather [hbm4b:s4+s2], $0x80, v3, vm0, $0xb8;
	[tilespmem:$0x6500] =	vst v63  }
0xdc: {  	_ = 	snop  }
0xdd: {  	[tilespmem:s25], [sflag:$0x1] =	stream.indirect_vreg.gather [hbm4b:s8+s2], $0x80, v3, vm0, $0xb8;
	[tilespmem:$0x6500] =	vst v63  }
0xde: {  	v3 =	vld [tilespmem:$0x88];
	_ =	sdelay $0x4  }
0xdf: {  	v59 =	vshll.u32 v3, $0x2  }
0xe0: {  	v3 =	vand.u32 $0x7, v3;
	v4 =	vand.u32 $0xFFFFFFE0, v59  }
0xe1: {  	v3 =	vor.u32 v3, v4  }
0xe2: {  	v4 =	vperm.xlane v3, v0;
	_ =	sdelay $0x1  }
0xe3: {  	v4 =	vadd.s32 v1, v4;
	_ =	sdelay $0x1  }
0xe4: {  	v3 =	vperm.xlane v3, v2;
	_ =	sdelay $0x1  }
0xe5: {  	v3 =	vadd.s32 v1, v3  }
0xe6: {  	[tilespmem:s26], [sflag:$0x1] =	stream.indirect_vreg.gather [hbm4b:s4+s2], $0x80, v4, vm0, $0xb8;
	[tilespmem:$0x6500] =	vst v63  }
0xe7: {  	_ = 	snop  }
0xe8: {  	[tilespmem:s28], [sflag:$0x1] =	stream.indirect_vreg.gather [hbm4b:s8+s2], $0x80, v4, vm0, $0xb8;
	[tilespmem:$0x6500] =	vst v63  }
0xe9: {  	_ = 	snop  }
0xea: {  	[tilespmem:s29], [sflag:$0x1] =	stream.indirect_vreg.gather [hbm4b:s4+s2], $0x80, v3, vm0, $0xb8;
	[tilespmem:$0x6500] =	vst v63  }
0xeb: {  	_ = 	snop  }
0xec: {  	[tilespmem:s30], [sflag:$0x1] =	stream.indirect_vreg.gather [hbm4b:s8+s2], $0x80, v3, vm0, $0xb8;
	[tilespmem:$0x6500] =	vst v63  }
0xed: {  	v3 =	vld.msk [tilespmem:$0x98], $0xff;
	_ =	sdelay $0x4  }
0xee: {  	v60 =	vshll.u32 v3, $0x2  }
0xef: {  	v3 =	vand.u32 $0x7, v3;
	v4 =	vand.u32 $0xFFFFFFE0, v60  }
0xf0: {  	v3 =	vor.u32 v3, v4  }
0xf1: {  	v3 =	vperm.xlane v3, v0;
	_ =	sdelay $0x1  }
0xf2: {  	v3 =	vadd.s32 v1, v3;
	_ =	sdelay $0x4  }
0xf3: {  	[tilespmem:s31], [sflag:$0x1] =	stream.indirect_vreg.gather [hbm4b:s4+s2], $0x80, v3, vm0, $0xb8;
	[tilespmem:$0x6500] =	vst v63  }
0xf4: {  	_ = 	snop  }
0xf5: {  	[tilespmem:s0], [sflag:$0x1] =	stream.indirect_vreg.gather [hbm4b:s8+s2], $0x80, v3, vm0, $0xb8;
	[tilespmem:$0x6500] =	vst v63  }
0xf6: {  	_ =	swait.ge [sflag:s18], $0x5000  }
0xf7: {  	[sflag:s18] =	ssyncset.done $0x0  }
0xf8: {  	[sflag:s18] =	ssyncadd.s32 $0xFFFFB000  }
0xf9: {  	[hbm4b:s12+s2] =	stream.linear.scatter [tilespmem:s22], [sflag:$0x2], $0x5000, $0x38;
	[tilespmem:$0x6500] =	vst v63  }
0xfa: {  	_ =	swait.ge [sflag:s15], $0x5000  }
0xfb: {  	[sflag:s15] =	ssyncset.done $0x0  }
0xfc: {  	[sflag:s15] =	ssyncadd.s32 $0xFFFFB000  }
0xfd: {  	v3 =	vld [tilespmem:$0xA0];
	_ =	sdelay $0x4  }
0xfe: {  	v61 =	vshll.u32 v3, $0x2  }
0xff: {  	v3 =	vand.u32 $0x7, v3;
	v4 =	vand.u32 $0xFFFFFFE0, v61  }
0x100: {  	v3 =	vor.u32 v3, v4  }
0x101: {  	v4 =	vperm.xlane v3, v0;
	_ =	sdelay $0x1  }
0x102: {  	v4 =	vadd.s32 v1, v4;
	_ =	sdelay $0x1  }
0x103: {  	v3 =	vperm.xlane v3, v2;
	_ =	sdelay $0x1  }
0x104: {  	v3 =	vadd.s32 v1, v3  }
0x105: {  	[tilespmem:s22], [sflag:$0x1] =	stream.indirect_vreg.gather [hbm4b:s4+s2], $0x80, v4, vm0, $0xb8;
	[tilespmem:$0x6500] =	vst v63  }
0x106: {  	_ = 	snop  }
0x107: {  	[tilespmem:s23], [sflag:$0x1] =	stream.indirect_vreg.gather [hbm4b:s8+s2], $0x80, v4, vm0, $0xb8;
	[tilespmem:$0x6500] =	vst v63  }
0x108: {  	_ = 	snop  }
0x109: {  	[tilespmem:s24], [sflag:$0x1] =	stream.indirect_vreg.gather [hbm4b:s4+s2], $0x80, v3, vm0, $0xb8;
	[tilespmem:$0x6500] =	vst v63  }
0x10a: {  	_ = 	snop  }
0x10b: {  	[tilespmem:s25], [sflag:$0x1] =	stream.indirect_vreg.gather [hbm4b:s8+s2], $0x80, v3, vm0, $0xb8;
	[tilespmem:$0x6500] =	vst v63  }
0x10c: {  	v3 =	vld [tilespmem:$0xB0];
	_ =	sdelay $0x4  }
0x10d: {  	v62 =	vshll.u32 v3, $0x2  }
0x10e: {  	v3 =	vand.u32 $0x7, v3;
	v4 =	vand.u32 $0xFFFFFFE0, v62  }
0x10f: {  	v3 =	vor.u32 v3, v4  }
0x110: {  	v4 =	vperm.xlane v3, v0;
	_ =	sdelay $0x1  }
0x111: {  	v4 =	vadd.s32 v1, v4;
	_ =	sdelay $0x1  }
0x112: {  	v3 =	vperm.xlane v3, v2;
	_ =	sdelay $0x1  }
0x113: {  	v3 =	vadd.s32 v1, v3  }
0x114: {  	[tilespmem:s26], [sflag:$0x1] =	stream.indirect_vreg.gather [hbm4b:s4+s2], $0x80, v4, vm0, $0xb8;
	[tilespmem:$0x6500] =	vst v63  }
0x115: {  	_ = 	snop  }
0x116: {  	[tilespmem:s28], [sflag:$0x1] =	stream.indirect_vreg.gather [hbm4b:s8+s2], $0x80, v4, vm0, $0xb8;
	[tilespmem:$0x6500] =	vst v63  }
0x117: {  	_ = 	snop  }
0x118: {  	[tilespmem:s29], [sflag:$0x1] =	stream.indirect_vreg.gather [hbm4b:s4+s2], $0x80, v3, vm0, $0xb8;
	[tilespmem:$0x6500] =	vst v63  }
0x119: {  	_ = 	snop  }
0x11a: {  	[tilespmem:s30], [sflag:$0x1] =	stream.indirect_vreg.gather [hbm4b:s8+s2], $0x80, v3, vm0, $0xb8;
	[tilespmem:$0x6500] =	vst v63  }
0x11b: {  	v3 =	vld.msk [tilespmem:$0xC0], $0xff;
	_ =	sdelay $0x4  }
0x11c: {  	v63 =	vshll.u32 v3, $0x2  }
0x11d: {  	v3 =	vand.u32 $0x7, v3;
	v4 =	vand.u32 $0xFFFFFFE0, v63  }
0x11e: {  	v3 =	vor.u32 v3, v4  }
0x11f: {  	v3 =	vperm.xlane v3, v0;
	_ =	sdelay $0x1  }
0x120: {  	v3 =	vadd.s32 v1, v3;
	_ =	sdelay $0x4  }
0x121: {  	[tilespmem:s31], [sflag:$0x1] =	stream.indirect_vreg.gather [hbm4b:s4+s2], $0x80, v3, vm0, $0xb8;
	[tilespmem:$0x6500] =	vst v63  }
0x122: {  	_ = 	snop  }
0x123: {  	[tilespmem:s0], [sflag:$0x1] =	stream.indirect_vreg.gather [hbm4b:s8+s2], $0x80, v3, vm0, $0xb8;
	[tilespmem:$0x6500] =	vst v63  }
0x124: {  	_ =	swait.ge [sflag:s18], $0x5000  }
0x125: {  	p0 =	sne.s32 s14, $0x1;
	[sflag:s18] =	ssyncset.done $0x0  }
.Ltmp0:
0x126: {  	[sflag:s18] =	ssyncadd.s32 $0xFFFFB000;
	(pc) =	sbr.rel @p0 .LBB2_1-.Ltmp0, $4  }
0x127: {  	[hbm4b:s13+s2] =	stream.linear.scatter [tilespmem:s22], [sflag:$0x2], $0x5000, $0x38;
	[tilespmem:$0x6500] =	vst v63  }
0x128: {  	_ =	swait.ge [sflag:s15], $0x5000  }
0x129: {  	[sflag:s15] =	ssyncset.done $0x0  }
0x12a: {  	s14 =	sadd.s32 $0xFFFFFFFF, s14;
	[sflag:s15] =	ssyncadd.s32 $0xFFFFB000  }
0x12b: {  	_ =	sfence.sel $0x180000  }
0x12c: {  	[bflag:$0x0] =	sbarrier.arrive $0xFFFF  }
0x12d: {  	_ =	strace $0x90000047  }
0x12e: {  	s0 =	stileid.u32;
	[bflag:$0x2] =	sbarrier.arrive $0xFFFF  }
0x12f: {  	p0 =	sne.s32 s0, $0x0;
	s0 =	rddreg [dreg:$0x2]  }
0x130: {  	s0 =	sadd.s32 @!p0 $0x100000, s0  }
0x131: {  	[sflag:s0] =	ssyncadd.tile.s32 @!p0 $0x1;
	_ =	shalt  }
.Lfunc_end2:
_tile_overlayer_lowered:
.L_overlay_start_2:
0x132: {  	(tag) =	ssettag $0x2  }
0x133: {  	s0 =	rddreg [dreg:$0x0];
	s2 =	stileid.u32  }
0x134: {  	s1 =	rddreg [dreg:$0x1];
	p0 =	sne.s32 s2, $0x0  }
0x135: {  	s3 =	rddreg [dreg:$0x2];
	[bflag:$0x3] =	sbarrier.arrive $0xFFFF;
	s2 =	simm.s32 @!p0 $0x1C02  }
0x136: {  	[timem:s3], [sflag:s2] =	dma.local @!p0 [hbm:s0], s1  }
0x137: {  	s0 =	simm.s32 @!p0 $0x2  }
0x138: {  	_ =	swait.ge @!p0 [sflag:s0], s1  }
0x139: {  	s1 =	ssub.s32 @!p0 $0x0, s1;
	[sflag:s0] =	ssyncset.done @!p0 $0x0  }
0x13a: {  	[sflag:s0] =	ssyncadd.s32 @!p0 s1  }
0x13b: {  	[bflag:$0x3] =	sbarrier.arrive $0xFFFF  }
0x13c: {  	_ =	shalt  }

</sc_bundles>
